<compile_context>
chip_gen: v7x
topology: tpu7x:2x2x1
jax: 0.10.2.dev20260603
libtpu: 0.0.44.dev20260713+nightly
codegen_flags: <defaults>
</compile_context>

<pallas_src>
import functools

import jax
import jax.numpy as jnp
from jax import lax
from jax.experimental import pallas as pl
from jax.experimental.pallas import tpu as pltpu
from jax.experimental.pallas import tpu_sc as plsc

_N_NODES = 100000
_N_EDGES = 3200000
_MAX_NODES = 10000
_OUT = 64

_NC = 2
_NS = 16
_NW = _NC * _NS
_L = 16

_HROWS = 800
_UNIT = 1024
_UNITS = _N_EDGES // _UNIT
_BASE_U = _UNITS // _NW
_EXTRA = _UNITS - _BASE_U * _NW
_CHUNK_U = 7
_CHUNK_E = _CHUNK_U * _UNIT
_TAIL_U = _BASE_U % _CHUNK_U
_TAIL_E = _TAIL_U * _UNIT
_UNROLL = 16


def _sc_hist_body(edge_hbm, out_hbm, idx_v, hist_v):
    c = lax.axis_index("c")
    s = lax.axis_index("s")
    w = c * _NS + s
    zero = jnp.zeros((_L,), jnp.float32)

    def _zrow(r, _):
        for l in range(128 // _L):
            hist_v[r, pl.ds(l * _L, _L)] = zero
        return 0

    lax.fori_loop(0, _HROWS, _zrow, 0)
    start_u = _BASE_U * w + jnp.minimum(w, _EXTRA)
    n_chunks = jnp.where(w < _EXTRA, 14, 13)
    ones = jnp.ones((_L,), jnp.float32)

    def _scat_vregs(n_vregs):
        def scat(g, _):
            vs = [idx_v[pl.ds((g * _UNROLL + u) * _L, _L)]
                  for u in range(_UNROLL)]
            for idx in vs:
                plsc.addupdate_scatter(
                    hist_v,
                    [lax.shift_right_logical(idx, 7),
                     lax.bitwise_and(idx, 127)],
                    ones)
            return 0

        lax.fori_loop(0, n_vregs // _UNROLL, scat, 0)

    def chunk(ci, _):
        off = (start_u + ci * _CHUNK_U) * _UNIT
        pltpu.sync_copy(edge_hbm.at[pl.ds(off, _CHUNK_E)], idx_v)
        _scat_vregs(_CHUNK_E // _L)
        return 0

    lax.fori_loop(0, n_chunks, chunk, 0)

    @pl.when(w >= _EXTRA)
    def _tail():
        off = (start_u + 13 * _CHUNK_U) * _UNIT
        pltpu.sync_copy(edge_hbm.at[pl.ds(off, _TAIL_E)],
                        idx_v.at[pl.ds(0, _TAIL_E)])
        _scat_vregs(_TAIL_E // _L)

    pltpu.sync_copy(hist_v, out_hbm.at[w])


@functools.cache
def _sc_histogram():
    mesh = plsc.VectorSubcoreMesh(
        core_axis_name="c", subcore_axis_name="s", num_cores=_NC,
        num_subcores=_NS,
    )
    return pl.kernel(
        _sc_hist_body,
        out_type=jax.ShapeDtypeStruct((_NW, _HROWS, 128), jnp.float32),
        mesh=mesh,
        compiler_params=pltpu.CompilerParams(needs_layout_passes=False),
        scratch_types=[
            pltpu.VMEM((_CHUNK_E,), jnp.int32),
            pltpu.VMEM((_HROWS, 128), jnp.float32),
        ],
    )


_BLK = 4096
_TGRID = -(-_N_NODES // _BLK)


def _tc_body(sc, emb, W1, b1, Wd1, bd1, Wd2, bd2, Wcn, Wcd, bc, gamma, beta,
             out, A2, eye):
    f32 = jnp.float32
    i = pl.program_id(0)

    @pl.when(i == 0)
    def _init():
        ne = jnp.maximum(emb[...], 0.0)
        ne = jnp.dot(ne, W1[...], preferred_element_type=f32) + b1[...]
        A = jnp.dot(ne, Wcn[...], preferred_element_type=f32) + bc[...]
        A2[pl.ds(0, _MAX_NODES), :] = A
        A2[pl.ds(_MAX_NODES, _MAX_NODES), :] = A
        r = lax.broadcasted_iota(jnp.int32, (128, 128), 0)
        c = lax.broadcasted_iota(jnp.int32, (128, 128), 1)
        eye[...] = (r == c).astype(f32)

    dsum = jnp.sum(sc[...], axis=0)
    t1 = lax.dot_general(eye[...], dsum, (((0,), (1,)), ((), ())),
                         preferred_element_type=f32)
    D16 = jnp.concatenate(
        [jnp.broadcast_to(t1[:, r:r + 1], (128, _L))
         for r in range(_BLK // 128)],
        axis=0)
    T = jnp.maximum(D16 * Wd1[...] + bd1[...], 0.0)
    de = jnp.dot(T, Wd2[...], preferred_element_type=f32) + bd2[...]
    G = jnp.dot(de, Wcd[...], preferred_element_type=f32)
    start = lax.rem(i * _BLK, _MAX_NODES)
    a = A2[pl.ds(start, _BLK), :]
    h = jnp.maximum(a + G, 0.0)
    m = jnp.mean(h, axis=1, keepdims=True)
    hc = h - m
    v = jnp.mean(hc * hc, axis=1, keepdims=True)
    out[...] = hc * lax.rsqrt(v + 1e-5) * gamma[...] + beta[...]


def _full(shape):
    return pl.BlockSpec(shape, lambda i: (0,) * len(shape))


_tc_dense = pl.pallas_call(
    _tc_body,
    grid=(_TGRID,),
    in_specs=[
        pl.BlockSpec((_NW, _BLK // 128, 128), lambda i: (0, i, 0)),
        _full((_MAX_NODES, 32)),
        _full((32, _OUT)),
        _full((1, _OUT)),
        _full((1, 16)),
        _full((1, 16)),
        _full((16, 32)),
        _full((1, 32)),
        _full((_OUT, _OUT)),
        _full((32, _OUT)),
        _full((1, _OUT)),
        _full((1, _OUT)),
        _full((1, _OUT)),
    ],
    out_specs=pl.BlockSpec((_BLK, _OUT), lambda i: (i, 0)),
    out_shape=jax.ShapeDtypeStruct((_N_NODES, _OUT), jnp.float32),
    scratch_shapes=[
        pltpu.VMEM((2 * _MAX_NODES, _OUT), jnp.float32),
        pltpu.VMEM((128, 128), jnp.float32),
    ],
)


def kernel(edge_index, emb, W1, b1, Wd1, bd1, Wd2, bd2, Wc, bc, gamma, beta):
    hists = _sc_histogram()(edge_index[0])
    return _tc_dense(
        hists, emb, W1, b1.reshape(1, -1), Wd1, bd1.reshape(1, -1), Wd2,
        bd2.reshape(1, -1), Wc[:_OUT], Wc[_OUT:], bc.reshape(1, -1),
        gamma.reshape(1, -1), beta.reshape(1, -1),
    )

# --- scband reference (transcript-rebuilt; emitter-appended) ---
"""Pipeline reference for scband-simple-graph-spatial-encoder-81097572483422 (READ-ONLY COPY).

The authoritative reference and input builder live on the scoring server;
editing this copy changes nothing except your own understanding.
"""

import jax, jax.numpy as jnp
import numpy as np

N_NODES = 100000
N_EDGES = 3200000
MAX_NODES = 10000
OUT = 64

def setup_inputs(seed: int = 0) -> dict:
    key = jax.random.key(seed)
    ks = jax.random.split(key, 12)
    edge_index = jax.random.randint(ks[0], (2, N_EDGES), 0, N_NODES, dtype=jnp.int32)
    # learned parameters
    emb = jax.random.normal(ks[1], (MAX_NODES, OUT // 2), dtype=jnp.float32) * 0.02
    W1 = jax.random.normal(ks[2], (OUT // 2, OUT), dtype=jnp.float32) * 0.05
    b1 = jnp.zeros((OUT,), dtype=jnp.float32)
    Wd1 = jax.random.normal(ks[3], (1, OUT // 4), dtype=jnp.float32) * 0.05
    bd1 = jnp.zeros((OUT // 4,), dtype=jnp.float32)
    Wd2 = jax.random.normal(ks[4], (OUT // 4, OUT // 2), dtype=jnp.float32) * 0.05
    bd2 = jnp.zeros((OUT // 2,), dtype=jnp.float32)
    Wc = jax.random.normal(ks[5], (OUT + OUT // 2, OUT), dtype=jnp.float32) * 0.05
    bc = jnp.zeros((OUT,), dtype=jnp.float32)
    gamma = jnp.ones((OUT,), dtype=jnp.float32)
    beta = jnp.zeros((OUT,), dtype=jnp.float32)
    return {"edge_index": edge_index, "emb": emb, "W1": W1, "b1": b1,
            "Wd1": Wd1, "bd1": bd1, "Wd2": Wd2, "bd2": bd2,
            "Wc": Wc, "bc": bc, "gamma": gamma, "beta": beta}

def reference(edge_index, emb, W1, b1, Wd1, bd1, Wd2, bd2, Wc, bc, gamma, beta):
    num_nodes = N_NODES
    node_range = jnp.arange(num_nodes)
    idx = node_range % MAX_NODES
    # node_encoder: Embedding -> ReLU -> Linear
    ne = jnp.take(emb, idx, axis=0)
    ne = jax.nn.relu(ne)
    ne = ne @ W1 + b1
    # degree via bincount over source nodes (scatter-add)
    row = edge_index[0]
    degree = jnp.bincount(row, length=num_nodes).astype(jnp.float32)
    d = degree[:, None]
    # degree_encoder: Linear -> ReLU -> Linear
    de = jax.nn.relu(d @ Wd1 + bd1)
    de = de @ Wd2 + bd2
    # combiner: Linear -> ReLU -> LayerNorm
    combined = jnp.concatenate([ne, de], axis=-1)
    h = jax.nn.relu(combined @ Wc + bc)
    mean = jnp.mean(h, axis=-1, keepdims=True)
    var = jnp.var(h, axis=-1, keepdims=True)
    out = (h - mean) / jnp.sqrt(var + 1e-5) * gamma + beta
    return out

if __name__ == "__main__":
    import jax
    _d = setup_inputs()
    print(jax.jit(kernel)(*tuple(_d.values())))

</pallas_src>

<mosaic_0001>
#map = affine_map<(d0, d1) -> (0)>
#map1 = affine_map<(d0, d1) -> (0, 0, 0)>
module attributes {stable_mosaic.version = 14 : i64} {
  func.func @_sc_hist_body(%arg0: i32, %arg1: i32, %arg2: memref<3200000xi32, #tpu.memory_space<hbm>>, %arg3: memref<32x800x128xf32, #tpu.memory_space<hbm>>, %arg4: memref<7168xi32, #tpu.memory_space<vmem>>, %arg5: memref<800x128xf32, #tpu.memory_space<vmem>>) attributes {dimension_semantics = [#tpu.dimension_semantics<core_parallel>, #tpu.dimension_semantics<subcore_parallel>], iteration_bounds = array<i64: 2, 16>, scalar_prefetch = 0 : i64, scratch_operands = 2 : i64, tpu.core_type = #tpu.core_type<sc_vector_subcore>, window_params = [{transform_indices = #map}, {transform_indices = #map1}]} {
    %mul3A = arith.constant 16 : i32
    %mul3A_0 = arith.muli %arg0, %mul3A : i32
    %add3A = arith.addi %mul3A_0, %arg1 : i32
    %broadcast_in_dim3A = arith.constant 0.000000e+00 : f32
    %broadcast_in_dim3A_1 = vector.broadcast %broadcast_in_dim3A : f32 to vector<16xf32>
    %scan3A = arith.constant 0 : i32
    %scan3A_2 = arith.constant 0 : i32
    %scan3A_3 = arith.constant 800 : i32
    %scan3A_4 = arith.addi %scan3A_2, %scan3A_3 : i32
    %scan3A_5 = arith.constant 1 : i32
    %scan3A_6 = scf.for %scan3A_29 = %scan3A_2 to %scan3A_4 step %scan3A_5 iter_args(%scan3A_30 = %scan3A) -> (i32)  : i32 {
      %swap3A = arith.index_cast %scan3A_29 : i32 to index
      %swap3A_31 = arith.constant 0 : index
      %swap3A_32 = tpu.vector_load %arg5[%swap3A, %swap3A_31] {strides = array<i32>} : memref<800x128xf32, #tpu.memory_space<vmem>>, vector<16xf32>,
      tpu.vector_store %arg5[%swap3A, %swap3A_31], %broadcast_in_dim3A_1 {strides = array<i32>} : memref<800x128xf32, #tpu.memory_space<vmem>>, vector<16xf32>,
      %swap3A_33 = arith.index_cast %scan3A_29 : i32 to index
      %swap3A_34 = arith.constant 16 : index
      %swap3A_35 = tpu.vector_load %arg5[%swap3A_33, %swap3A_34] {strides = array<i32>} : memref<800x128xf32, #tpu.memory_space<vmem>>, vector<16xf32>,
      tpu.vector_store %arg5[%swap3A_33, %swap3A_34], %broadcast_in_dim3A_1 {strides = array<i32>} : memref<800x128xf32, #tpu.memory_space<vmem>>, vector<16xf32>,
      %swap3A_36 = arith.index_cast %scan3A_29 : i32 to index
      %swap3A_37 = arith.constant 32 : index
      %swap3A_38 = tpu.vector_load %arg5[%swap3A_36, %swap3A_37] {strides = array<i32>} : memref<800x128xf32, #tpu.memory_space<vmem>>, vector<16xf32>,
      tpu.vector_store %arg5[%swap3A_36, %swap3A_37], %broadcast_in_dim3A_1 {strides = array<i32>} : memref<800x128xf32, #tpu.memory_space<vmem>>, vector<16xf32>,
      %swap3A_39 = arith.index_cast %scan3A_29 : i32 to index
      %swap3A_40 = arith.constant 48 : index
      %swap3A_41 = tpu.vector_load %arg5[%swap3A_39, %swap3A_40] {strides = array<i32>} : memref<800x128xf32, #tpu.memory_space<vmem>>, vector<16xf32>,
      tpu.vector_store %arg5[%swap3A_39, %swap3A_40], %broadcast_in_dim3A_1 {strides = array<i32>} : memref<800x128xf32, #tpu.memory_space<vmem>>, vector<16xf32>,
      %swap3A_42 = arith.index_cast %scan3A_29 : i32 to index
      %swap3A_43 = arith.constant 64 : index
      %swap3A_44 = tpu.vector_load %arg5[%swap3A_42, %swap3A_43] {strides = array<i32>} : memref<800x128xf32, #tpu.memory_space<vmem>>, vector<16xf32>,
      tpu.vector_store %arg5[%swap3A_42, %swap3A_43], %broadcast_in_dim3A_1 {strides = array<i32>} : memref<800x128xf32, #tpu.memory_space<vmem>>, vector<16xf32>,
      %swap3A_45 = arith.index_cast %scan3A_29 : i32 to index
      %swap3A_46 = arith.constant 80 : index
      %swap3A_47 = tpu.vector_load %arg5[%swap3A_45, %swap3A_46] {strides = array<i32>} : memref<800x128xf32, #tpu.memory_space<vmem>>, vector<16xf32>,
      tpu.vector_store %arg5[%swap3A_45, %swap3A_46], %broadcast_in_dim3A_1 {strides = array<i32>} : memref<800x128xf32, #tpu.memory_space<vmem>>, vector<16xf32>,
      %swap3A_48 = arith.index_cast %scan3A_29 : i32 to index
      %swap3A_49 = arith.constant 96 : index
      %swap3A_50 = tpu.vector_load %arg5[%swap3A_48, %swap3A_49] {strides = array<i32>} : memref<800x128xf32, #tpu.memory_space<vmem>>, vector<16xf32>,
      tpu.vector_store %arg5[%swap3A_48, %swap3A_49], %broadcast_in_dim3A_1 {strides = array<i32>} : memref<800x128xf32, #tpu.memory_space<vmem>>, vector<16xf32>,
      %swap3A_51 = arith.index_cast %scan3A_29 : i32 to index
      %swap3A_52 = arith.constant 112 : index
      %swap3A_53 = tpu.vector_load %arg5[%swap3A_51, %swap3A_52] {strides = array<i32>} : memref<800x128xf32, #tpu.memory_space<vmem>>, vector<16xf32>,
      tpu.vector_store %arg5[%swap3A_51, %swap3A_52], %broadcast_in_dim3A_1 {strides = array<i32>} : memref<800x128xf32, #tpu.memory_space<vmem>>, vector<16xf32>,
      %scan3A_54 = arith.constant 0 : i32
      scf.yield %scan3A_54 : i32
    }
    %scan3A_7 = arith.constant 800 : i32
    %mul3A_8 = arith.constant 97 : i32
    %mul3A_9 = arith.muli %mul3A_8, %add3A : i32
    %min3A = arith.constant 21 : i32
    %min3A_10 = arith.minsi %add3A, %min3A : i32
    %add3A_11 = arith.addi %mul3A_9, %min3A_10 : i32
    %lt3A = arith.constant 21 : i32
    %lt3A_12 = arith.cmpi slt, %add3A, %lt3A : i32
    %jit3A = arith.constant 14 : i32
    %jit3A_13 = arith.constant 13 : i32
    %select_n3A = arith.select %lt3A_12, %jit3A, %jit3A_13 : i32
    %broadcast_in_dim3A_14 = arith.constant 1.000000e+00 : f32
    %broadcast_in_dim3A_15 = vector.broadcast %broadcast_in_dim3A_14 : f32 to vector<16xf32>
    %while3A = arith.constant 0 : i32
    %while3A_16 = arith.constant 0 : i32
    %while3A_17 = arith.subi %select_n3A, %while3A : i32
    %while3A_18 = arith.addi %while3A, %while3A_17 : i32
    %while3A_19 = arith.constant 1 : i32
    %while3A_20 = arith.divsi %while3A_17, %while3A_19 : i32
    %while3A_21 = arith.muli %while3A_20, %while3A_19 : i32
    %while3A_22 = arith.addi %while3A, %while3A_21 : i32
    %while3A_23 = arith.constant 1 : i32
    %while3A_24 = scf.for %while3A_29 = %while3A to %while3A_22 step %while3A_23 iter_args(%while3A_30 = %while3A_16) -> (i32)  : i32 {
      %mul3A_31 = arith.constant 7 : i32
      %mul3A_32 = arith.muli %while3A_29, %mul3A_31 : i32
      %add3A_33 = arith.addi %add3A_11, %mul3A_32 : i32
      %mul3A_34 = arith.constant 1024 : i32
      %mul3A_35 = arith.muli %add3A_33, %mul3A_34 : i32
      "tpu.region"() ({
        %run_scoped3A = tpu.sem_alloc : memref<!tpu.dma_semaphore, #tpu.memory_space<semaphore_mem>>
        %dma_start3A = tpu.memref_slice %arg2[%mul3A_35] : memref<3200000xi32, #tpu.memory_space<hbm>> -> memref<7168xi32, #tpu.memory_space<hbm>>
        %dma_start3A_44 = tpu.memref_slice %arg2[%mul3A_35] : memref<3200000xi32, #tpu.memory_space<hbm>> -> memref<7168xi32, #tpu.memory_space<hbm>>
        tpu.enqueue_dma source(%dma_start3A_44 : memref<7168xi32, #tpu.memory_space<hbm>>) target(%arg4 : memref<7168xi32, #tpu.memory_space<vmem>>) target_semaphore(%run_scoped3A : memref<!tpu.dma_semaphore, #tpu.memory_space<semaphore_mem>>)
        %dma_wait3A = tpu.memref_slice %arg2[%mul3A_35] : memref<3200000xi32, #tpu.memory_space<hbm>> -> memref<7168xi32, #tpu.memory_space<hbm>>
        %dma_wait3A_45 = tpu.memref_slice %arg2[%mul3A_35] : memref<3200000xi32, #tpu.memory_space<hbm>> -> memref<7168xi32, #tpu.memory_space<hbm>>
        tpu.wait_dma2 semaphore(%run_scoped3A : memref<!tpu.dma_semaphore, #tpu.memory_space<semaphore_mem>>) src(%dma_wait3A_45 : memref<7168xi32, #tpu.memory_space<hbm>>) dst(%arg4 : memref<7168xi32, #tpu.memory_space<vmem>>)
        tpu.yield
      }) : () -> ()
      %scan3A_36 = arith.constant 0 : i32
      %scan3A_37 = arith.constant 0 : i32
      %scan3A_38 = arith.constant 28 : i32
      %scan3A_39 = arith.addi %scan3A_37, %scan3A_38 : i32
      %scan3A_40 = arith.constant 1 : i32
      %scan3A_41 = scf.for %scan3A_44 = %scan3A_37 to %scan3A_39 step %scan3A_40 iter_args(%scan3A_45 = %scan3A_36) -> (i32)  : i32 {
        %mul3A_46 = arith.constant 16 : i32
        %mul3A_47 = arith.muli %scan3A_44, %mul3A_46 : i32
        %add3A_48 = arith.constant 0 : i32
        %add3A_49 = arith.addi %mul3A_47, %add3A_48 : i32
        %mul3A_50 = arith.constant 16 : i32
        %mul3A_51 = arith.muli %add3A_49, %mul3A_50 : i32
        %get3A = arith.index_cast %mul3A_51 : i32 to index
        %get3A_52 = tpu.vector_load %arg4[%get3A] {strides = array<i32>} : memref<7168xi32, #tpu.memory_space<vmem>>, vector<16xi32>,
        %mul3A_53 = arith.constant 16 : i32
        %mul3A_54 = arith.muli %scan3A_44, %mul3A_53 : i32
        %add3A_55 = arith.constant 1 : i32
        %add3A_56 = arith.addi %mul3A_54, %add3A_55 : i32
        %mul3A_57 = arith.constant 16 : i32
        %mul3A_58 = arith.muli %add3A_56, %mul3A_57 : i32
        %get3A_59 = arith.index_cast %mul3A_58 : i32 to index
        %get3A_60 = tpu.vector_load %arg4[%get3A_59] {strides = array<i32>} : memref<7168xi32, #tpu.memory_space<vmem>>, vector<16xi32>,
        %mul3A_61 = arith.constant 16 : i32
        %mul3A_62 = arith.muli %scan3A_44, %mul3A_61 : i32
        %add3A_63 = arith.constant 2 : i32
        %add3A_64 = arith.addi %mul3A_62, %add3A_63 : i32
        %mul3A_65 = arith.constant 16 : i32
        %mul3A_66 = arith.muli %add3A_64, %mul3A_65 : i32
        %get3A_67 = arith.index_cast %mul3A_66 : i32 to index
        %get3A_68 = tpu.vector_load %arg4[%get3A_67] {strides = array<i32>} : memref<7168xi32, #tpu.memory_space<vmem>>, vector<16xi32>,
        %mul3A_69 = arith.constant 16 : i32
        %mul3A_70 = arith.muli %scan3A_44, %mul3A_69 : i32
        %add3A_71 = arith.constant 3 : i32
        %add3A_72 = arith.addi %mul3A_70, %add3A_71 : i32
        %mul3A_73 = arith.constant 16 : i32
        %mul3A_74 = arith.muli %add3A_72, %mul3A_73 : i32
        %get3A_75 = arith.index_cast %mul3A_74 : i32 to index
        %get3A_76 = tpu.vector_load %arg4[%get3A_75] {strides = array<i32>} : memref<7168xi32, #tpu.memory_space<vmem>>, vector<16xi32>,
        %mul3A_77 = arith.constant 16 : i32
        %mul3A_78 = arith.muli %scan3A_44, %mul3A_77 : i32
        %add3A_79 = arith.constant 4 : i32
        %add3A_80 = arith.addi %mul3A_78, %add3A_79 : i32
        %mul3A_81 = arith.constant 16 : i32
        %mul3A_82 = arith.muli %add3A_80, %mul3A_81 : i32
        %get3A_83 = arith.index_cast %mul3A_82 : i32 to index
        %get3A_84 = tpu.vector_load %arg4[%get3A_83] {strides = array<i32>} : memref<7168xi32, #tpu.memory_space<vmem>>, vector<16xi32>,
        %mul3A_85 = arith.constant 16 : i32
        %mul3A_86 = arith.muli %scan3A_44, %mul3A_85 : i32
        %add3A_87 = arith.constant 5 : i32
        %add3A_88 = arith.addi %mul3A_86, %add3A_87 : i32
        %mul3A_89 = arith.constant 16 : i32
        %mul3A_90 = arith.muli %add3A_88, %mul3A_89 : i32
        %get3A_91 = arith.index_cast %mul3A_90 : i32 to index
        %get3A_92 = tpu.vector_load %arg4[%get3A_91] {strides = array<i32>} : memref<7168xi32, #tpu.memory_space<vmem>>, vector<16xi32>,
        %mul3A_93 = arith.constant 16 : i32
        %mul3A_94 = arith.muli %scan3A_44, %mul3A_93 : i32
        %add3A_95 = arith.constant 6 : i32
        %add3A_96 = arith.addi %mul3A_94, %add3A_95 : i32
        %mul3A_97 = arith.constant 16 : i32
        %mul3A_98 = arith.muli %add3A_96, %mul3A_97 : i32
        %get3A_99 = arith.index_cast %mul3A_98 : i32 to index
        %get3A_100 = tpu.vector_load %arg4[%get3A_99] {strides = array<i32>} : memref<7168xi32, #tpu.memory_space<vmem>>, vector<16xi32>,
        %mul3A_101 = arith.constant 16 : i32
        %mul3A_102 = arith.muli %scan3A_44, %mul3A_101 : i32
        %add3A_103 = arith.constant 7 : i32
        %add3A_104 = arith.addi %mul3A_102, %add3A_103 : i32
        %mul3A_105 = arith.constant 16 : i32
        %mul3A_106 = arith.muli %add3A_104, %mul3A_105 : i32
        %get3A_107 = arith.index_cast %mul3A_106 : i32 to index
        %get3A_108 = tpu.vector_load %arg4[%get3A_107] {strides = array<i32>} : memref<7168xi32, #tpu.memory_space<vmem>>, vector<16xi32>,
        %mul3A_109 = arith.constant 16 : i32
        %mul3A_110 = arith.muli %scan3A_44, %mul3A_109 : i32
        %add3A_111 = arith.constant 8 : i32
        %add3A_112 = arith.addi %mul3A_110, %add3A_111 : i32
        %mul3A_113 = arith.constant 16 : i32
        %mul3A_114 = arith.muli %add3A_112, %mul3A_113 : i32
        %get3A_115 = arith.index_cast %mul3A_114 : i32 to index
        %get3A_116 = tpu.vector_load %arg4[%get3A_115] {strides = array<i32>} : memref<7168xi32, #tpu.memory_space<vmem>>, vector<16xi32>,
        %mul3A_117 = arith.constant 16 : i32
        %mul3A_118 = arith.muli %scan3A_44, %mul3A_117 : i32
        %add3A_119 = arith.constant 9 : i32
        %add3A_120 = arith.addi %mul3A_118, %add3A_119 : i32
        %mul3A_121 = arith.constant 16 : i32
        %mul3A_122 = arith.muli %add3A_120, %mul3A_121 : i32
        %get3A_123 = arith.index_cast %mul3A_122 : i32 to index
        %get3A_124 = tpu.vector_load %arg4[%get3A_123] {strides = array<i32>} : memref<7168xi32, #tpu.memory_space<vmem>>, vector<16xi32>,
        %mul3A_125 = arith.constant 16 : i32
        %mul3A_126 = arith.muli %scan3A_44, %mul3A_125 : i32
        %add3A_127 = arith.constant 10 : i32
        %add3A_128 = arith.addi %mul3A_126, %add3A_127 : i32
        %mul3A_129 = arith.constant 16 : i32
        %mul3A_130 = arith.muli %add3A_128, %mul3A_129 : i32
        %get3A_131 = arith.index_cast %mul3A_130 : i32 to index
        %get3A_132 = tpu.vector_load %arg4[%get3A_131] {strides = array<i32>} : memref<7168xi32, #tpu.memory_space<vmem>>, vector<16xi32>,
        %mul3A_133 = arith.constant 16 : i32
        %mul3A_134 = arith.muli %scan3A_44, %mul3A_133 : i32
        %add3A_135 = arith.constant 11 : i32
        %add3A_136 = arith.addi %mul3A_134, %add3A_135 : i32
        %mul3A_137 = arith.constant 16 : i32
        %mul3A_138 = arith.muli %add3A_136, %mul3A_137 : i32
        %get3A_139 = arith.index_cast %mul3A_138 : i32 to index
        %get3A_140 = tpu.vector_load %arg4[%get3A_139] {strides = array<i32>} : memref<7168xi32, #tpu.memory_space<vmem>>, vector<16xi32>,
        %mul3A_141 = arith.constant 16 : i32
        %mul3A_142 = arith.muli %scan3A_44, %mul3A_141 : i32
        %add3A_143 = arith.constant 12 : i32
        %add3A_144 = arith.addi %mul3A_142, %add3A_143 : i32
        %mul3A_145 = arith.constant 16 : i32
        %mul3A_146 = arith.muli %add3A_144, %mul3A_145 : i32
        %get3A_147 = arith.index_cast %mul3A_146 : i32 to index
        %get3A_148 = tpu.vector_load %arg4[%get3A_147] {strides = array<i32>} : memref<7168xi32, #tpu.memory_space<vmem>>, vector<16xi32>,
        %mul3A_149 = arith.constant 16 : i32
        %mul3A_150 = arith.muli %scan3A_44, %mul3A_149 : i32
        %add3A_151 = arith.constant 13 : i32
        %add3A_152 = arith.addi %mul3A_150, %add3A_151 : i32
        %mul3A_153 = arith.constant 16 : i32
        %mul3A_154 = arith.muli %add3A_152, %mul3A_153 : i32
        %get3A_155 = arith.index_cast %mul3A_154 : i32 to index
        %get3A_156 = tpu.vector_load %arg4[%get3A_155] {strides = array<i32>} : memref<7168xi32, #tpu.memory_space<vmem>>, vector<16xi32>,
        %mul3A_157 = arith.constant 16 : i32
        %mul3A_158 = arith.muli %scan3A_44, %mul3A_157 : i32
        %add3A_159 = arith.constant 14 : i32
        %add3A_160 = arith.addi %mul3A_158, %add3A_159 : i32
        %mul3A_161 = arith.constant 16 : i32
        %mul3A_162 = arith.muli %add3A_160, %mul3A_161 : i32
        %get3A_163 = arith.index_cast %mul3A_162 : i32 to index
        %get3A_164 = tpu.vector_load %arg4[%get3A_163] {strides = array<i32>} : memref<7168xi32, #tpu.memory_space<vmem>>, vector<16xi32>,
        %mul3A_165 = arith.constant 16 : i32
        %mul3A_166 = arith.muli %scan3A_44, %mul3A_165 : i32
        %add3A_167 = arith.constant 15 : i32
        %add3A_168 = arith.addi %mul3A_166, %add3A_167 : i32
        %mul3A_169 = arith.constant 16 : i32
        %mul3A_170 = arith.muli %add3A_168, %mul3A_169 : i32
        %get3A_171 = arith.index_cast %mul3A_170 : i32 to index
        %get3A_172 = tpu.vector_load %arg4[%get3A_171] {strides = array<i32>} : memref<7168xi32, #tpu.memory_space<vmem>>, vector<16xi32>,
        %shift_right_logical3A = arith.constant 7 : i32
        %shift_right_logical3A_173 = vector.broadcast %shift_right_logical3A : i32 to vector<16xi32>
        %shift_right_logical3A_174 = arith.shrui %get3A_52, %shift_right_logical3A_173 : vector<16xi32>
        %and3A = arith.constant 127 : i32
        %and3A_175 = vector.broadcast %and3A : i32 to vector<16xi32>
        %and3A_176 = arith.andi %get3A_52, %and3A_175 : vector<16xi32>
        tpu.vector_store_idx %arg5[%shift_right_logical3A_174, %and3A_176], %broadcast_in_dim3A_15 {add = true} : memref<800x128xf32, #tpu.memory_space<vmem>>[vector<16xi32>, vector<16xi32>], vector<16xf32>,
        %shift_right_logical3A_177 = arith.constant 7 : i32
        %shift_right_logical3A_178 = vector.broadcast %shift_right_logical3A_177 : i32 to vector<16xi32>
        %shift_right_logical3A_179 = arith.shrui %get3A_60, %shift_right_logical3A_178 : vector<16xi32>
        %and3A_180 = arith.constant 127 : i32
        %and3A_181 = vector.broadcast %and3A_180 : i32 to vector<16xi32>
        %and3A_182 = arith.andi %get3A_60, %and3A_181 : vector<16xi32>
        tpu.vector_store_idx %arg5[%shift_right_logical3A_179, %and3A_182], %broadcast_in_dim3A_15 {add = true} : memref<800x128xf32, #tpu.memory_space<vmem>>[vector<16xi32>, vector<16xi32>], vector<16xf32>,
        %shift_right_logical3A_183 = arith.constant 7 : i32
        %shift_right_logical3A_184 = vector.broadcast %shift_right_logical3A_183 : i32 to vector<16xi32>
        %shift_right_logical3A_185 = arith.shrui %get3A_68, %shift_right_logical3A_184 : vector<16xi32>
        %and3A_186 = arith.constant 127 : i32
        %and3A_187 = vector.broadcast %and3A_186 : i32 to vector<16xi32>
        %and3A_188 = arith.andi %get3A_68, %and3A_187 : vector<16xi32>
        tpu.vector_store_idx %arg5[%shift_right_logical3A_185, %and3A_188], %broadcast_in_dim3A_15 {add = true} : memref<800x128xf32, #tpu.memory_space<vmem>>[vector<16xi32>, vector<16xi32>], vector<16xf32>,
        %shift_right_logical3A_189 = arith.constant 7 : i32
        %shift_right_logical3A_190 = vector.broadcast %shift_right_logical3A_189 : i32 to vector<16xi32>
        %shift_right_logical3A_191 = arith.shrui %get3A_76, %shift_right_logical3A_190 : vector<16xi32>
        %and3A_192 = arith.constant 127 : i32
        %and3A_193 = vector.broadcast %and3A_192 : i32 to vector<16xi32>
        %and3A_194 = arith.andi %get3A_76, %and3A_193 : vector<16xi32>
        tpu.vector_store_idx %arg5[%shift_right_logical3A_191, %and3A_194], %broadcast_in_dim3A_15 {add = true} : memref<800x128xf32, #tpu.memory_space<vmem>>[vector<16xi32>, vector<16xi32>], vector<16xf32>,
        %shift_right_logical3A_195 = arith.constant 7 : i32
        %shift_right_logical3A_196 = vector.broadcast %shift_right_logical3A_195 : i32 to vector<16xi32>
        %shift_right_logical3A_197 = arith.shrui %get3A_84, %shift_right_logical3A_196 : vector<16xi32>
        %and3A_198 = arith.constant 127 : i32
        %and3A_199 = vector.broadcast %and3A_198 : i32 to vector<16xi32>
        %and3A_200 = arith.andi %get3A_84, %and3A_199 : vector<16xi32>
        tpu.vector_store_idx %arg5[%shift_right_logical3A_197, %and3A_200], %broadcast_in_dim3A_15 {add = true} : memref<800x128xf32, #tpu.memory_space<vmem>>[vector<16xi32>, vector<16xi32>], vector<16xf32>,
        %shift_right_logical3A_201 = arith.constant 7 : i32
        %shift_right_logical3A_202 = vector.broadcast %shift_right_logical3A_201 : i32 to vector<16xi32>
        %shift_right_logical3A_203 = arith.shrui %get3A_92, %shift_right_logical3A_202 : vector<16xi32>
        %and3A_204 = arith.constant 127 : i32
        %and3A_205 = vector.broadcast %and3A_204 : i32 to vector<16xi32>
        %and3A_206 = arith.andi %get3A_92, %and3A_205 : vector<16xi32>
        tpu.vector_store_idx %arg5[%shift_right_logical3A_203, %and3A_206], %broadcast_in_dim3A_15 {add = true} : memref<800x128xf32, #tpu.memory_space<vmem>>[vector<16xi32>, vector<16xi32>], vector<16xf32>,
        %shift_right_logical3A_207 = arith.constant 7 : i32
        %shift_right_logical3A_208 = vector.broadcast %shift_right_logical3A_207 : i32 to vector<16xi32>
        %shift_right_logical3A_209 = arith.shrui %get3A_100, %shift_right_logical3A_208 : vector<16xi32>
        %and3A_210 = arith.constant 127 : i32
        %and3A_211 = vector.broadcast %and3A_210 : i32 to vector<16xi32>
        %and3A_212 = arith.andi %get3A_100, %and3A_211 : vector<16xi32>
        tpu.vector_store_idx %arg5[%shift_right_logical3A_209, %and3A_212], %broadcast_in_dim3A_15 {add = true} : memref<800x128xf32, #tpu.memory_space<vmem>>[vector<16xi32>, vector<16xi32>], vector<16xf32>,
        %shift_right_logical3A_213 = arith.constant 7 : i32
        %shift_right_logical3A_214 = vector.broadcast %shift_right_logical3A_213 : i32 to vector<16xi32>
        %shift_right_logical3A_215 = arith.shrui %get3A_108, %shift_right_logical3A_214 : vector<16xi32>
        %and3A_216 = arith.constant 127 : i32
        %and3A_217 = vector.broadcast %and3A_216 : i32 to vector<16xi32>
        %and3A_218 = arith.andi %get3A_108, %and3A_217 : vector<16xi32>
        tpu.vector_store_idx %arg5[%shift_right_logical3A_215, %and3A_218], %broadcast_in_dim3A_15 {add = true} : memref<800x128xf32, #tpu.memory_space<vmem>>[vector<16xi32>, vector<16xi32>], vector<16xf32>,
        %shift_right_logical3A_219 = arith.constant 7 : i32
        %shift_right_logical3A_220 = vector.broadcast %shift_right_logical3A_219 : i32 to vector<16xi32>
        %shift_right_logical3A_221 = arith.shrui %get3A_116, %shift_right_logical3A_220 : vector<16xi32>
        %and3A_222 = arith.constant 127 : i32
        %and3A_223 = vector.broadcast %and3A_222 : i32 to vector<16xi32>
        %and3A_224 = arith.andi %get3A_116, %and3A_223 : vector<16xi32>
        tpu.vector_store_idx %arg5[%shift_right_logical3A_221, %and3A_224], %broadcast_in_dim3A_15 {add = true} : memref<800x128xf32, #tpu.memory_space<vmem>>[vector<16xi32>, vector<16xi32>], vector<16xf32>,
        %shift_right_logical3A_225 = arith.constant 7 : i32
        %shift_right_logical3A_226 = vector.broadcast %shift_right_logical3A_225 : i32 to vector<16xi32>
        %shift_right_logical3A_227 = arith.shrui %get3A_124, %shift_right_logical3A_226 : vector<16xi32>
        %and3A_228 = arith.constant 127 : i32
        %and3A_229 = vector.broadcast %and3A_228 : i32 to vector<16xi32>
        %and3A_230 = arith.andi %get3A_124, %and3A_229 : vector<16xi32>
        tpu.vector_store_idx %arg5[%shift_right_logical3A_227, %and3A_230], %broadcast_in_dim3A_15 {add = true} : memref<800x128xf32, #tpu.memory_space<vmem>>[vector<16xi32>, vector<16xi32>], vector<16xf32>,
        %shift_right_logical3A_231 = arith.constant 7 : i32
        %shift_right_logical3A_232 = vector.broadcast %shift_right_logical3A_231 : i32 to vector<16xi32>
        %shift_right_logical3A_233 = arith.shrui %get3A_132, %shift_right_logical3A_232 : vector<16xi32>
        %and3A_234 = arith.constant 127 : i32
        %and3A_235 = vector.broadcast %and3A_234 : i32 to vector<16xi32>
        %and3A_236 = arith.andi %get3A_132, %and3A_235 : vector<16xi32>
        tpu.vector_store_idx %arg5[%shift_right_logical3A_233, %and3A_236], %broadcast_in_dim3A_15 {add = true} : memref<800x128xf32, #tpu.memory_space<vmem>>[vector<16xi32>, vector<16xi32>], vector<16xf32>,
        %shift_right_logical3A_237 = arith.constant 7 : i32
        %shift_right_logical3A_238 = vector.broadcast %shift_right_logical3A_237 : i32 to vector<16xi32>
        %shift_right_logical3A_239 = arith.shrui %get3A_140, %shift_right_logical3A_238 : vector<16xi32>
        %and3A_240 = arith.constant 127 : i32
        %and3A_241 = vector.broadcast %and3A_240 : i32 to vector<16xi32>
        %and3A_242 = arith.andi %get3A_140, %and3A_241 : vector<16xi32>
        tpu.vector_store_idx %arg5[%shift_right_logical3A_239, %and3A_242], %broadcast_in_dim3A_15 {add = true} : memref<800x128xf32, #tpu.memory_space<vmem>>[vector<16xi32>, vector<16xi32>], vector<16xf32>,
        %shift_right_logical3A_243 = arith.constant 7 : i32
        %shift_right_logical3A_244 = vector.broadcast %shift_right_logical3A_243 : i32 to vector<16xi32>
        %shift_right_logical3A_245 = arith.shrui %get3A_148, %shift_right_logical3A_244 : vector<16xi32>
        %and3A_246 = arith.constant 127 : i32
        %and3A_247 = vector.broadcast %and3A_246 : i32 to vector<16xi32>
        %and3A_248 = arith.andi %get3A_148, %and3A_247 : vector<16xi32>
        tpu.vector_store_idx %arg5[%shift_right_logical3A_245, %and3A_248], %broadcast_in_dim3A_15 {add = true} : memref<800x128xf32, #tpu.memory_space<vmem>>[vector<16xi32>, vector<16xi32>], vector<16xf32>,
        %shift_right_logical3A_249 = arith.constant 7 : i32
        %shift_right_logical3A_250 = vector.broadcast %shift_right_logical3A_249 : i32 to vector<16xi32>
        %shift_right_logical3A_251 = arith.shrui %get3A_156, %shift_right_logical3A_250 : vector<16xi32>
        %and3A_252 = arith.constant 127 : i32
        %and3A_253 = vector.broadcast %and3A_252 : i32 to vector<16xi32>
        %and3A_254 = arith.andi %get3A_156, %and3A_253 : vector<16xi32>
        tpu.vector_store_idx %arg5[%shift_right_logical3A_251, %and3A_254], %broadcast_in_dim3A_15 {add = true} : memref<800x128xf32, #tpu.memory_space<vmem>>[vector<16xi32>, vector<16xi32>], vector<16xf32>,
        %shift_right_logical3A_255 = arith.constant 7 : i32
        %shift_right_logical3A_256 = vector.broadcast %shift_right_logical3A_255 : i32 to vector<16xi32>
        %shift_right_logical3A_257 = arith.shrui %get3A_164, %shift_right_logical3A_256 : vector<16xi32>
        %and3A_258 = arith.constant 127 : i32
        %and3A_259 = vector.broadcast %and3A_258 : i32 to vector<16xi32>
        %and3A_260 = arith.andi %get3A_164, %and3A_259 : vector<16xi32>
        tpu.vector_store_idx %arg5[%shift_right_logical3A_257, %and3A_260], %broadcast_in_dim3A_15 {add = true} : memref<800x128xf32, #tpu.memory_space<vmem>>[vector<16xi32>, vector<16xi32>], vector<16xf32>,
        %shift_right_logical3A_261 = arith.constant 7 : i32
        %shift_right_logical3A_262 = vector.broadcast %shift_right_logical3A_261 : i32 to vector<16xi32>
        %shift_right_logical3A_263 = arith.shrui %get3A_172, %shift_right_logical3A_262 : vector<16xi32>
        %and3A_264 = arith.constant 127 : i32
        %and3A_265 = vector.broadcast %and3A_264 : i32 to vector<16xi32>
        %and3A_266 = arith.andi %get3A_172, %and3A_265 : vector<16xi32>
        tpu.vector_store_idx %arg5[%shift_right_logical3A_263, %and3A_266], %broadcast_in_dim3A_15 {add = true} : memref<800x128xf32, #tpu.memory_space<vmem>>[vector<16xi32>, vector<16xi32>], vector<16xf32>,
        %scan3A_267 = arith.constant 0 : i32
        scf.yield %scan3A_267 : i32
      }
      %scan3A_42 = arith.constant 28 : i32
      %while3A_43 = arith.constant 0 : i32
      scf.yield %while3A_43 : i32
    }
    %while3A_25 = arith.constant 1 : i32
    %while3A_26 = scf.for %while3A_29 = %while3A_22 to %while3A_18 step %while3A_25 iter_args(%while3A_30 = %while3A_24) -> (i32)  : i32 {
      %mul3A_31 = arith.constant 7 : i32
      %mul3A_32 = arith.muli %while3A_29, %mul3A_31 : i32
      %add3A_33 = arith.addi %add3A_11, %mul3A_32 : i32
      %mul3A_34 = arith.constant 1024 : i32
      %mul3A_35 = arith.muli %add3A_33, %mul3A_34 : i32
      "tpu.region"() ({
        %run_scoped3A = tpu.sem_alloc : memref<!tpu.dma_semaphore, #tpu.memory_space<semaphore_mem>>
        %dma_start3A = tpu.memref_slice %arg2[%mul3A_35] : memref<3200000xi32, #tpu.memory_space<hbm>> -> memref<7168xi32, #tpu.memory_space<hbm>>
        %dma_start3A_44 = tpu.memref_slice %arg2[%mul3A_35] : memref<3200000xi32, #tpu.memory_space<hbm>> -> memref<7168xi32, #tpu.memory_space<hbm>>
        tpu.enqueue_dma source(%dma_start3A_44 : memref<7168xi32, #tpu.memory_space<hbm>>) target(%arg4 : memref<7168xi32, #tpu.memory_space<vmem>>) target_semaphore(%run_scoped3A : memref<!tpu.dma_semaphore, #tpu.memory_space<semaphore_mem>>)
        %dma_wait3A = tpu.memref_slice %arg2[%mul3A_35] : memref<3200000xi32, #tpu.memory_space<hbm>> -> memref<7168xi32, #tpu.memory_space<hbm>>
        %dma_wait3A_45 = tpu.memref_slice %arg2[%mul3A_35] : memref<3200000xi32, #tpu.memory_space<hbm>> -> memref<7168xi32, #tpu.memory_space<hbm>>
        tpu.wait_dma2 semaphore(%run_scoped3A : memref<!tpu.dma_semaphore, #tpu.memory_space<semaphore_mem>>) src(%dma_wait3A_45 : memref<7168xi32, #tpu.memory_space<hbm>>) dst(%arg4 : memref<7168xi32, #tpu.memory_space<vmem>>)
        tpu.yield
      }) : () -> ()
      %scan3A_36 = arith.constant 0 : i32
      %scan3A_37 = arith.constant 0 : i32
      %scan3A_38 = arith.constant 28 : i32
      %scan3A_39 = arith.addi %scan3A_37, %scan3A_38 : i32
      %scan3A_40 = arith.constant 1 : i32
      %scan3A_41 = scf.for %scan3A_44 = %scan3A_37 to %scan3A_39 step %scan3A_40 iter_args(%scan3A_45 = %scan3A_36) -> (i32)  : i32 {
        %mul3A_46 = arith.constant 16 : i32
        %mul3A_47 = arith.muli %scan3A_44, %mul3A_46 : i32
        %add3A_48 = arith.constant 0 : i32
        %add3A_49 = arith.addi %mul3A_47, %add3A_48 : i32
        %mul3A_50 = arith.constant 16 : i32
        %mul3A_51 = arith.muli %add3A_49, %mul3A_50 : i32
        %get3A = arith.index_cast %mul3A_51 : i32 to index
        %get3A_52 = tpu.vector_load %arg4[%get3A] {strides = array<i32>} : memref<7168xi32, #tpu.memory_space<vmem>>, vector<16xi32>,
        %mul3A_53 = arith.constant 16 : i32
        %mul3A_54 = arith.muli %scan3A_44, %mul3A_53 : i32
        %add3A_55 = arith.constant 1 : i32
        %add3A_56 = arith.addi %mul3A_54, %add3A_55 : i32
        %mul3A_57 = arith.constant 16 : i32
        %mul3A_58 = arith.muli %add3A_56, %mul3A_57 : i32
        %get3A_59 = arith.index_cast %mul3A_58 : i32 to index
        %get3A_60 = tpu.vector_load %arg4[%get3A_59] {strides = array<i32>} : memref<7168xi32, #tpu.memory_space<vmem>>, vector<16xi32>,
        %mul3A_61 = arith.constant 16 : i32
        %mul3A_62 = arith.muli %scan3A_44, %mul3A_61 : i32
        %add3A_63 = arith.constant 2 : i32
        %add3A_64 = arith.addi %mul3A_62, %add3A_63 : i32
        %mul3A_65 = arith.constant 16 : i32
        %mul3A_66 = arith.muli %add3A_64, %mul3A_65 : i32
        %get3A_67 = arith.index_cast %mul3A_66 : i32 to index
        %get3A_68 = tpu.vector_load %arg4[%get3A_67] {strides = array<i32>} : memref<7168xi32, #tpu.memory_space<vmem>>, vector<16xi32>,
        %mul3A_69 = arith.constant 16 : i32
        %mul3A_70 = arith.muli %scan3A_44, %mul3A_69 : i32
        %add3A_71 = arith.constant 3 : i32
        %add3A_72 = arith.addi %mul3A_70, %add3A_71 : i32
        %mul3A_73 = arith.constant 16 : i32
        %mul3A_74 = arith.muli %add3A_72, %mul3A_73 : i32
        %get3A_75 = arith.index_cast %mul3A_74 : i32 to index
        %get3A_76 = tpu.vector_load %arg4[%get3A_75] {strides = array<i32>} : memref<7168xi32, #tpu.memory_space<vmem>>, vector<16xi32>,
        %mul3A_77 = arith.constant 16 : i32
        %mul3A_78 = arith.muli %scan3A_44, %mul3A_77 : i32
        %add3A_79 = arith.constant 4 : i32
        %add3A_80 = arith.addi %mul3A_78, %add3A_79 : i32
        %mul3A_81 = arith.constant 16 : i32
        %mul3A_82 = arith.muli %add3A_80, %mul3A_81 : i32
        %get3A_83 = arith.index_cast %mul3A_82 : i32 to index
        %get3A_84 = tpu.vector_load %arg4[%get3A_83] {strides = array<i32>} : memref<7168xi32, #tpu.memory_space<vmem>>, vector<16xi32>,
        %mul3A_85 = arith.constant 16 : i32
        %mul3A_86 = arith.muli %scan3A_44, %mul3A_85 : i32
        %add3A_87 = arith.constant 5 : i32
        %add3A_88 = arith.addi %mul3A_86, %add3A_87 : i32
        %mul3A_89 = arith.constant 16 : i32
        %mul3A_90 = arith.muli %add3A_88, %mul3A_89 : i32
        %get3A_91 = arith.index_cast %mul3A_90 : i32 to index
        %get3A_92 = tpu.vector_load %arg4[%get3A_91] {strides = array<i32>} : memref<7168xi32, #tpu.memory_space<vmem>>, vector<16xi32>,
        %mul3A_93 = arith.constant 16 : i32
        %mul3A_94 = arith.muli %scan3A_44, %mul3A_93 : i32
        %add3A_95 = arith.constant 6 : i32
        %add3A_96 = arith.addi %mul3A_94, %add3A_95 : i32
        %mul3A_97 = arith.constant 16 : i32
        %mul3A_98 = arith.muli %add3A_96, %mul3A_97 : i32
        %get3A_99 = arith.index_cast %mul3A_98 : i32 to index
        %get3A_100 = tpu.vector_load %arg4[%get3A_99] {strides = array<i32>} : memref<7168xi32, #tpu.memory_space<vmem>>, vector<16xi32>,
        %mul3A_101 = arith.constant 16 : i32
        %mul3A_102 = arith.muli %scan3A_44, %mul3A_101 : i32
        %add3A_103 = arith.constant 7 : i32
        %add3A_104 = arith.addi %mul3A_102, %add3A_103 : i32
        %mul3A_105 = arith.constant 16 : i32
        %mul3A_106 = arith.muli %add3A_104, %mul3A_105 : i32
        %get3A_107 = arith.index_cast %mul3A_106 : i32 to index
        %get3A_108 = tpu.vector_load %arg4[%get3A_107] {strides = array<i32>} : memref<7168xi32, #tpu.memory_space<vmem>>, vector<16xi32>,
        %mul3A_109 = arith.constant 16 : i32
        %mul3A_110 = arith.muli %scan3A_44, %mul3A_109 : i32
        %add3A_111 = arith.constant 8 : i32
        %add3A_112 = arith.addi %mul3A_110, %add3A_111 : i32
        %mul3A_113 = arith.constant 16 : i32
        %mul3A_114 = arith.muli %add3A_112, %mul3A_113 : i32
        %get3A_115 = arith.index_cast %mul3A_114 : i32 to index
        %get3A_116 = tpu.vector_load %arg4[%get3A_115] {strides = array<i32>} : memref<7168xi32, #tpu.memory_space<vmem>>, vector<16xi32>,
        %mul3A_117 = arith.constant 16 : i32
        %mul3A_118 = arith.muli %scan3A_44, %mul3A_117 : i32
        %add3A_119 = arith.constant 9 : i32
        %add3A_120 = arith.addi %mul3A_118, %add3A_119 : i32
        %mul3A_121 = arith.constant 16 : i32
        %mul3A_122 = arith.muli %add3A_120, %mul3A_121 : i32
        %get3A_123 = arith.index_cast %mul3A_122 : i32 to index
        %get3A_124 = tpu.vector_load %arg4[%get3A_123] {strides = array<i32>} : memref<7168xi32, #tpu.memory_space<vmem>>, vector<16xi32>,
        %mul3A_125 = arith.constant 16 : i32
        %mul3A_126 = arith.muli %scan3A_44, %mul3A_125 : i32
        %add3A_127 = arith.constant 10 : i32
        %add3A_128 = arith.addi %mul3A_126, %add3A_127 : i32
        %mul3A_129 = arith.constant 16 : i32
        %mul3A_130 = arith.muli %add3A_128, %mul3A_129 : i32
        %get3A_131 = arith.index_cast %mul3A_130 : i32 to index
        %get3A_132 = tpu.vector_load %arg4[%get3A_131] {strides = array<i32>} : memref<7168xi32, #tpu.memory_space<vmem>>, vector<16xi32>,
        %mul3A_133 = arith.constant 16 : i32
        %mul3A_134 = arith.muli %scan3A_44, %mul3A_133 : i32
        %add3A_135 = arith.constant 11 : i32
        %add3A_136 = arith.addi %mul3A_134, %add3A_135 : i32
        %mul3A_137 = arith.constant 16 : i32
        %mul3A_138 = arith.muli %add3A_136, %mul3A_137 : i32
        %get3A_139 = arith.index_cast %mul3A_138 : i32 to index
        %get3A_140 = tpu.vector_load %arg4[%get3A_139] {strides = array<i32>} : memref<7168xi32, #tpu.memory_space<vmem>>, vector<16xi32>,
        %mul3A_141 = arith.constant 16 : i32
        %mul3A_142 = arith.muli %scan3A_44, %mul3A_141 : i32
        %add3A_143 = arith.constant 12 : i32
        %add3A_144 = arith.addi %mul3A_142, %add3A_143 : i32
        %mul3A_145 = arith.constant 16 : i32
        %mul3A_146 = arith.muli %add3A_144, %mul3A_145 : i32
        %get3A_147 = arith.index_cast %mul3A_146 : i32 to index
        %get3A_148 = tpu.vector_load %arg4[%get3A_147] {strides = array<i32>} : memref<7168xi32, #tpu.memory_space<vmem>>, vector<16xi32>,
        %mul3A_149 = arith.constant 16 : i32
        %mul3A_150 = arith.muli %scan3A_44, %mul3A_149 : i32
        %add3A_151 = arith.constant 13 : i32
        %add3A_152 = arith.addi %mul3A_150, %add3A_151 : i32
        %mul3A_153 = arith.constant 16 : i32
        %mul3A_154 = arith.muli %add3A_152, %mul3A_153 : i32
        %get3A_155 = arith.index_cast %mul3A_154 : i32 to index
        %get3A_156 = tpu.vector_load %arg4[%get3A_155] {strides = array<i32>} : memref<7168xi32, #tpu.memory_space<vmem>>, vector<16xi32>,
        %mul3A_157 = arith.constant 16 : i32
        %mul3A_158 = arith.muli %scan3A_44, %mul3A_157 : i32
        %add3A_159 = arith.constant 14 : i32
        %add3A_160 = arith.addi %mul3A_158, %add3A_159 : i32
        %mul3A_161 = arith.constant 16 : i32
        %mul3A_162 = arith.muli %add3A_160, %mul3A_161 : i32
        %get3A_163 = arith.index_cast %mul3A_162 : i32 to index
        %get3A_164 = tpu.vector_load %arg4[%get3A_163] {strides = array<i32>} : memref<7168xi32, #tpu.memory_space<vmem>>, vector<16xi32>,
        %mul3A_165 = arith.constant 16 : i32
        %mul3A_166 = arith.muli %scan3A_44, %mul3A_165 : i32
        %add3A_167 = arith.constant 15 : i32
        %add3A_168 = arith.addi %mul3A_166, %add3A_167 : i32
        %mul3A_169 = arith.constant 16 : i32
        %mul3A_170 = arith.muli %add3A_168, %mul3A_169 : i32
        %get3A_171 = arith.index_cast %mul3A_170 : i32 to index
        %get3A_172 = tpu.vector_load %arg4[%get3A_171] {strides = array<i32>} : memref<7168xi32, #tpu.memory_space<vmem>>, vector<16xi32>,
        %shift_right_logical3A = arith.constant 7 : i32
        %shift_right_logical3A_173 = vector.broadcast %shift_right_logical3A : i32 to vector<16xi32>
        %shift_right_logical3A_174 = arith.shrui %get3A_52, %shift_right_logical3A_173 : vector<16xi32>
        %and3A = arith.constant 127 : i32
        %and3A_175 = vector.broadcast %and3A : i32 to vector<16xi32>
        %and3A_176 = arith.andi %get3A_52, %and3A_175 : vector<16xi32>
        tpu.vector_store_idx %arg5[%shift_right_logical3A_174, %and3A_176], %broadcast_in_dim3A_15 {add = true} : memref<800x128xf32, #tpu.memory_space<vmem>>[vector<16xi32>, vector<16xi32>], vector<16xf32>,
        %shift_right_logical3A_177 = arith.constant 7 : i32
        %shift_right_logical3A_178 = vector.broadcast %shift_right_logical3A_177 : i32 to vector<16xi32>
        %shift_right_logical3A_179 = arith.shrui %get3A_60, %shift_right_logical3A_178 : vector<16xi32>
        %and3A_180 = arith.constant 127 : i32
        %and3A_181 = vector.broadcast %and3A_180 : i32 to vector<16xi32>
        %and3A_182 = arith.andi %get3A_60, %and3A_181 : vector<16xi32>
        tpu.vector_store_idx %arg5[%shift_right_logical3A_179, %and3A_182], %broadcast_in_dim3A_15 {add = true} : memref<800x128xf32, #tpu.memory_space<vmem>>[vector<16xi32>, vector<16xi32>], vector<16xf32>,
        %shift_right_logical3A_183 = arith.constant 7 : i32
        %shift_right_logical3A_184 = vector.broadcast %shift_right_logical3A_183 : i32 to vector<16xi32>
        %shift_right_logical3A_185 = arith.shrui %get3A_68, %shift_right_logical3A_184 : vector<16xi32>
        %and3A_186 = arith.constant 127 : i32
        %and3A_187 = vector.broadcast %and3A_186 : i32 to vector<16xi32>
        %and3A_188 = arith.andi %get3A_68, %and3A_187 : vector<16xi32>
        tpu.vector_store_idx %arg5[%shift_right_logical3A_185, %and3A_188], %broadcast_in_dim3A_15 {add = true} : memref<800x128xf32, #tpu.memory_space<vmem>>[vector<16xi32>, vector<16xi32>], vector<16xf32>,
        %shift_right_logical3A_189 = arith.constant 7 : i32
        %shift_right_logical3A_190 = vector.broadcast %shift_right_logical3A_189 : i32 to vector<16xi32>
        %shift_right_logical3A_191 = arith.shrui %get3A_76, %shift_right_logical3A_190 : vector<16xi32>
        %and3A_192 = arith.constant 127 : i32
        %and3A_193 = vector.broadcast %and3A_192 : i32 to vector<16xi32>
        %and3A_194 = arith.andi %get3A_76, %and3A_193 : vector<16xi32>
        tpu.vector_store_idx %arg5[%shift_right_logical3A_191, %and3A_194], %broadcast_in_dim3A_15 {add = true} : memref<800x128xf32, #tpu.memory_space<vmem>>[vector<16xi32>, vector<16xi32>], vector<16xf32>,
        %shift_right_logical3A_195 = arith.constant 7 : i32
        %shift_right_logical3A_196 = vector.broadcast %shift_right_logical3A_195 : i32 to vector<16xi32>
        %shift_right_logical3A_197 = arith.shrui %get3A_84, %shift_right_logical3A_196 : vector<16xi32>
        %and3A_198 = arith.constant 127 : i32
        %and3A_199 = vector.broadcast %and3A_198 : i32 to vector<16xi32>
        %and3A_200 = arith.andi %get3A_84, %and3A_199 : vector<16xi32>
        tpu.vector_store_idx %arg5[%shift_right_logical3A_197, %and3A_200], %broadcast_in_dim3A_15 {add = true} : memref<800x128xf32, #tpu.memory_space<vmem>>[vector<16xi32>, vector<16xi32>], vector<16xf32>,
        %shift_right_logical3A_201 = arith.constant 7 : i32
        %shift_right_logical3A_202 = vector.broadcast %shift_right_logical3A_201 : i32 to vector<16xi32>
        %shift_right_logical3A_203 = arith.shrui %get3A_92, %shift_right_logical3A_202 : vector<16xi32>
        %and3A_204 = arith.constant 127 : i32
        %and3A_205 = vector.broadcast %and3A_204 : i32 to vector<16xi32>
        %and3A_206 = arith.andi %get3A_92, %and3A_205 : vector<16xi32>
        tpu.vector_store_idx %arg5[%shift_right_logical3A_203, %and3A_206], %broadcast_in_dim3A_15 {add = true} : memref<800x128xf32, #tpu.memory_space<vmem>>[vector<16xi32>, vector<16xi32>], vector<16xf32>,
        %shift_right_logical3A_207 = arith.constant 7 : i32
        %shift_right_logical3A_208 = vector.broadcast %shift_right_logical3A_207 : i32 to vector<16xi32>
        %shift_right_logical3A_209 = arith.shrui %get3A_100, %shift_right_logical3A_208 : vector<16xi32>
        %and3A_210 = arith.constant 127 : i32
        %and3A_211 = vector.broadcast %and3A_210 : i32 to vector<16xi32>
        %and3A_212 = arith.andi %get3A_100, %and3A_211 : vector<16xi32>
        tpu.vector_store_idx %arg5[%shift_right_logical3A_209, %and3A_212], %broadcast_in_dim3A_15 {add = true} : memref<800x128xf32, #tpu.memory_space<vmem>>[vector<16xi32>, vector<16xi32>], vector<16xf32>,
        %shift_right_logical3A_213 = arith.constant 7 : i32
        %shift_right_logical3A_214 = vector.broadcast %shift_right_logical3A_213 : i32 to vector<16xi32>
        %shift_right_logical3A_215 = arith.shrui %get3A_108, %shift_right_logical3A_214 : vector<16xi32>
        %and3A_216 = arith.constant 127 : i32
        %and3A_217 = vector.broadcast %and3A_216 : i32 to vector<16xi32>
        %and3A_218 = arith.andi %get3A_108, %and3A_217 : vector<16xi32>
        tpu.vector_store_idx %arg5[%shift_right_logical3A_215, %and3A_218], %broadcast_in_dim3A_15 {add = true} : memref<800x128xf32, #tpu.memory_space<vmem>>[vector<16xi32>, vector<16xi32>], vector<16xf32>,
        %shift_right_logical3A_219 = arith.constant 7 : i32
        %shift_right_logical3A_220 = vector.broadcast %shift_right_logical3A_219 : i32 to vector<16xi32>
        %shift_right_logical3A_221 = arith.shrui %get3A_116, %shift_right_logical3A_220 : vector<16xi32>
        %and3A_222 = arith.constant 127 : i32
        %and3A_223 = vector.broadcast %and3A_222 : i32 to vector<16xi32>
        %and3A_224 = arith.andi %get3A_116, %and3A_223 : vector<16xi32>
        tpu.vector_store_idx %arg5[%shift_right_logical3A_221, %and3A_224], %broadcast_in_dim3A_15 {add = true} : memref<800x128xf32, #tpu.memory_space<vmem>>[vector<16xi32>, vector<16xi32>], vector<16xf32>,
        %shift_right_logical3A_225 = arith.constant 7 : i32
        %shift_right_logical3A_226 = vector.broadcast %shift_right_logical3A_225 : i32 to vector<16xi32>
        %shift_right_logical3A_227 = arith.shrui %get3A_124, %shift_right_logical3A_226 : vector<16xi32>
        %and3A_228 = arith.constant 127 : i32
        %and3A_229 = vector.broadcast %and3A_228 : i32 to vector<16xi32>
        %and3A_230 = arith.andi %get3A_124, %and3A_229 : vector<16xi32>
        tpu.vector_store_idx %arg5[%shift_right_logical3A_227, %and3A_230], %broadcast_in_dim3A_15 {add = true} : memref<800x128xf32, #tpu.memory_space<vmem>>[vector<16xi32>, vector<16xi32>], vector<16xf32>,
        %shift_right_logical3A_231 = arith.constant 7 : i32
        %shift_right_logical3A_232 = vector.broadcast %shift_right_logical3A_231 : i32 to vector<16xi32>
        %shift_right_logical3A_233 = arith.shrui %get3A_132, %shift_right_logical3A_232 : vector<16xi32>
        %and3A_234 = arith.constant 127 : i32
        %and3A_235 = vector.broadcast %and3A_234 : i32 to vector<16xi32>
        %and3A_236 = arith.andi %get3A_132, %and3A_235 : vector<16xi32>
        tpu.vector_store_idx %arg5[%shift_right_logical3A_233, %and3A_236], %broadcast_in_dim3A_15 {add = true} : memref<800x128xf32, #tpu.memory_space<vmem>>[vector<16xi32>, vector<16xi32>], vector<16xf32>,
        %shift_right_logical3A_237 = arith.constant 7 : i32
        %shift_right_logical3A_238 = vector.broadcast %shift_right_logical3A_237 : i32 to vector<16xi32>
        %shift_right_logical3A_239 = arith.shrui %get3A_140, %shift_right_logical3A_238 : vector<16xi32>
        %and3A_240 = arith.constant 127 : i32
        %and3A_241 = vector.broadcast %and3A_240 : i32 to vector<16xi32>
        %and3A_242 = arith.andi %get3A_140, %and3A_241 : vector<16xi32>
        tpu.vector_store_idx %arg5[%shift_right_logical3A_239, %and3A_242], %broadcast_in_dim3A_15 {add = true} : memref<800x128xf32, #tpu.memory_space<vmem>>[vector<16xi32>, vector<16xi32>], vector<16xf32>,
        %shift_right_logical3A_243 = arith.constant 7 : i32
        %shift_right_logical3A_244 = vector.broadcast %shift_right_logical3A_243 : i32 to vector<16xi32>
        %shift_right_logical3A_245 = arith.shrui %get3A_148, %shift_right_logical3A_244 : vector<16xi32>
        %and3A_246 = arith.constant 127 : i32
        %and3A_247 = vector.broadcast %and3A_246 : i32 to vector<16xi32>
        %and3A_248 = arith.andi %get3A_148, %and3A_247 : vector<16xi32>
        tpu.vector_store_idx %arg5[%shift_right_logical3A_245, %and3A_248], %broadcast_in_dim3A_15 {add = true} : memref<800x128xf32, #tpu.memory_space<vmem>>[vector<16xi32>, vector<16xi32>], vector<16xf32>,
        %shift_right_logical3A_249 = arith.constant 7 : i32
        %shift_right_logical3A_250 = vector.broadcast %shift_right_logical3A_249 : i32 to vector<16xi32>
        %shift_right_logical3A_251 = arith.shrui %get3A_156, %shift_right_logical3A_250 : vector<16xi32>
        %and3A_252 = arith.constant 127 : i32
        %and3A_253 = vector.broadcast %and3A_252 : i32 to vector<16xi32>
        %and3A_254 = arith.andi %get3A_156, %and3A_253 : vector<16xi32>
        tpu.vector_store_idx %arg5[%shift_right_logical3A_251, %and3A_254], %broadcast_in_dim3A_15 {add = true} : memref<800x128xf32, #tpu.memory_space<vmem>>[vector<16xi32>, vector<16xi32>], vector<16xf32>,
        %shift_right_logical3A_255 = arith.constant 7 : i32
        %shift_right_logical3A_256 = vector.broadcast %shift_right_logical3A_255 : i32 to vector<16xi32>
        %shift_right_logical3A_257 = arith.shrui %get3A_164, %shift_right_logical3A_256 : vector<16xi32>
        %and3A_258 = arith.constant 127 : i32
        %and3A_259 = vector.broadcast %and3A_258 : i32 to vector<16xi32>
        %and3A_260 = arith.andi %get3A_164, %and3A_259 : vector<16xi32>
        tpu.vector_store_idx %arg5[%shift_right_logical3A_257, %and3A_260], %broadcast_in_dim3A_15 {add = true} : memref<800x128xf32, #tpu.memory_space<vmem>>[vector<16xi32>, vector<16xi32>], vector<16xf32>,
        %shift_right_logical3A_261 = arith.constant 7 : i32
        %shift_right_logical3A_262 = vector.broadcast %shift_right_logical3A_261 : i32 to vector<16xi32>
        %shift_right_logical3A_263 = arith.shrui %get3A_172, %shift_right_logical3A_262 : vector<16xi32>
        %and3A_264 = arith.constant 127 : i32
        %and3A_265 = vector.broadcast %and3A_264 : i32 to vector<16xi32>
        %and3A_266 = arith.andi %get3A_172, %and3A_265 : vector<16xi32>
        tpu.vector_store_idx %arg5[%shift_right_logical3A_263, %and3A_266], %broadcast_in_dim3A_15 {add = true} : memref<800x128xf32, #tpu.memory_space<vmem>>[vector<16xi32>, vector<16xi32>], vector<16xf32>,
        %scan3A_267 = arith.constant 0 : i32
        scf.yield %scan3A_267 : i32
      }
      %scan3A_42 = arith.constant 28 : i32
      %while3A_43 = arith.constant 0 : i32
      scf.yield %while3A_43 : i32
    }
    %ge3A = arith.constant 21 : i32
    %ge3A_27 = arith.cmpi sge, %add3A, %ge3A : i32
    %convert_element_type3A = arith.extui %ge3A_27 : i1 to i32
    %cond3A = arith.constant 0 : i32
    %cond3A_28 = arith.cmpi ne, %convert_element_type3A, %cond3A : i32
    scf.if %cond3A_28 {
      %add3A_29 = arith.constant 91 : i32
      %add3A_30 = arith.addi %add3A_11, %add3A_29 : i32
      %mul3A_31 = arith.constant 1024 : i32
      %mul3A_32 = arith.muli %add3A_30, %mul3A_31 : i32
      "tpu.region"() ({
        %run_scoped3A = tpu.sem_alloc : memref<!tpu.dma_semaphore, #tpu.memory_space<semaphore_mem>>
        %dma_start3A = arith.constant 0 : i32
        %dma_start3A_40 = tpu.memref_slice %arg4[%dma_start3A] : memref<7168xi32, #tpu.memory_space<vmem>> -> memref<6144xi32, #tpu.memory_space<vmem>>
        %dma_start3A_41 = tpu.memref_slice %arg2[%mul3A_32] : memref<3200000xi32, #tpu.memory_space<hbm>> -> memref<6144xi32, #tpu.memory_space<hbm>>
        %dma_start3A_42 = arith.constant 0 : i32
        %dma_start3A_43 = tpu.memref_slice %arg4[%dma_start3A_42] : memref<7168xi32, #tpu.memory_space<vmem>> -> memref<6144xi32, #tpu.memory_space<vmem>>
        %dma_start3A_44 = tpu.memref_slice %arg2[%mul3A_32] : memref<3200000xi32, #tpu.memory_space<hbm>> -> memref<6144xi32, #tpu.memory_space<hbm>>
        tpu.enqueue_dma source(%dma_start3A_44 : memref<6144xi32, #tpu.memory_space<hbm>>) target(%dma_start3A_43 : memref<6144xi32, #tpu.memory_space<vmem>>) target_semaphore(%run_scoped3A : memref<!tpu.dma_semaphore, #tpu.memory_space<semaphore_mem>>)
        %dma_wait3A = arith.constant 0 : i32
        %dma_wait3A_45 = tpu.memref_slice %arg4[%dma_wait3A] : memref<7168xi32, #tpu.memory_space<vmem>> -> memref<6144xi32, #tpu.memory_space<vmem>>
        %dma_wait3A_46 = tpu.memref_slice %arg2[%mul3A_32] : memref<3200000xi32, #tpu.memory_space<hbm>> -> memref<6144xi32, #tpu.memory_space<hbm>>
        %dma_wait3A_47 = arith.constant 0 : i32
        %dma_wait3A_48 = tpu.memref_slice %arg4[%dma_wait3A_47] : memref<7168xi32, #tpu.memory_space<vmem>> -> memref<6144xi32, #tpu.memory_space<vmem>>
        %dma_wait3A_49 = tpu.memref_slice %arg2[%mul3A_32] : memref<3200000xi32, #tpu.memory_space<hbm>> -> memref<6144xi32, #tpu.memory_space<hbm>>
        tpu.wait_dma2 semaphore(%run_scoped3A : memref<!tpu.dma_semaphore, #tpu.memory_space<semaphore_mem>>) src(%dma_wait3A_49 : memref<6144xi32, #tpu.memory_space<hbm>>) dst(%dma_wait3A_48 : memref<6144xi32, #tpu.memory_space<vmem>>)
        tpu.yield
      }) : () -> ()
      %scan3A_33 = arith.constant 0 : i32
      %scan3A_34 = arith.constant 0 : i32
      %scan3A_35 = arith.constant 24 : i32
      %scan3A_36 = arith.addi %scan3A_34, %scan3A_35 : i32
      %scan3A_37 = arith.constant 1 : i32
      %scan3A_38 = scf.for %scan3A_40 = %scan3A_34 to %scan3A_36 step %scan3A_37 iter_args(%scan3A_41 = %scan3A_33) -> (i32)  : i32 {
        %mul3A_42 = arith.constant 16 : i32
        %mul3A_43 = arith.muli %scan3A_40, %mul3A_42 : i32
        %add3A_44 = arith.constant 0 : i32
        %add3A_45 = arith.addi %mul3A_43, %add3A_44 : i32
        %mul3A_46 = arith.constant 16 : i32
        %mul3A_47 = arith.muli %add3A_45, %mul3A_46 : i32
        %get3A = arith.index_cast %mul3A_47 : i32 to index
        %get3A_48 = tpu.vector_load %arg4[%get3A] {strides = array<i32>} : memref<7168xi32, #tpu.memory_space<vmem>>, vector<16xi32>,
        %mul3A_49 = arith.constant 16 : i32
        %mul3A_50 = arith.muli %scan3A_40, %mul3A_49 : i32
        %add3A_51 = arith.constant 1 : i32
        %add3A_52 = arith.addi %mul3A_50, %add3A_51 : i32
        %mul3A_53 = arith.constant 16 : i32
        %mul3A_54 = arith.muli %add3A_52, %mul3A_53 : i32
        %get3A_55 = arith.index_cast %mul3A_54 : i32 to index
        %get3A_56 = tpu.vector_load %arg4[%get3A_55] {strides = array<i32>} : memref<7168xi32, #tpu.memory_space<vmem>>, vector<16xi32>,
        %mul3A_57 = arith.constant 16 : i32
        %mul3A_58 = arith.muli %scan3A_40, %mul3A_57 : i32
        %add3A_59 = arith.constant 2 : i32
        %add3A_60 = arith.addi %mul3A_58, %add3A_59 : i32
        %mul3A_61 = arith.constant 16 : i32
        %mul3A_62 = arith.muli %add3A_60, %mul3A_61 : i32
        %get3A_63 = arith.index_cast %mul3A_62 : i32 to index
        %get3A_64 = tpu.vector_load %arg4[%get3A_63] {strides = array<i32>} : memref<7168xi32, #tpu.memory_space<vmem>>, vector<16xi32>,
        %mul3A_65 = arith.constant 16 : i32
        %mul3A_66 = arith.muli %scan3A_40, %mul3A_65 : i32
        %add3A_67 = arith.constant 3 : i32
        %add3A_68 = arith.addi %mul3A_66, %add3A_67 : i32
        %mul3A_69 = arith.constant 16 : i32
        %mul3A_70 = arith.muli %add3A_68, %mul3A_69 : i32
        %get3A_71 = arith.index_cast %mul3A_70 : i32 to index
        %get3A_72 = tpu.vector_load %arg4[%get3A_71] {strides = array<i32>} : memref<7168xi32, #tpu.memory_space<vmem>>, vector<16xi32>,
        %mul3A_73 = arith.constant 16 : i32
        %mul3A_74 = arith.muli %scan3A_40, %mul3A_73 : i32
        %add3A_75 = arith.constant 4 : i32
        %add3A_76 = arith.addi %mul3A_74, %add3A_75 : i32
        %mul3A_77 = arith.constant 16 : i32
        %mul3A_78 = arith.muli %add3A_76, %mul3A_77 : i32
        %get3A_79 = arith.index_cast %mul3A_78 : i32 to index
        %get3A_80 = tpu.vector_load %arg4[%get3A_79] {strides = array<i32>} : memref<7168xi32, #tpu.memory_space<vmem>>, vector<16xi32>,
        %mul3A_81 = arith.constant 16 : i32
        %mul3A_82 = arith.muli %scan3A_40, %mul3A_81 : i32
        %add3A_83 = arith.constant 5 : i32
        %add3A_84 = arith.addi %mul3A_82, %add3A_83 : i32
        %mul3A_85 = arith.constant 16 : i32
        %mul3A_86 = arith.muli %add3A_84, %mul3A_85 : i32
        %get3A_87 = arith.index_cast %mul3A_86 : i32 to index
        %get3A_88 = tpu.vector_load %arg4[%get3A_87] {strides = array<i32>} : memref<7168xi32, #tpu.memory_space<vmem>>, vector<16xi32>,
        %mul3A_89 = arith.constant 16 : i32
        %mul3A_90 = arith.muli %scan3A_40, %mul3A_89 : i32
        %add3A_91 = arith.constant 6 : i32
        %add3A_92 = arith.addi %mul3A_90, %add3A_91 : i32
        %mul3A_93 = arith.constant 16 : i32
        %mul3A_94 = arith.muli %add3A_92, %mul3A_93 : i32
        %get3A_95 = arith.index_cast %mul3A_94 : i32 to index
        %get3A_96 = tpu.vector_load %arg4[%get3A_95] {strides = array<i32>} : memref<7168xi32, #tpu.memory_space<vmem>>, vector<16xi32>,
        %mul3A_97 = arith.constant 16 : i32
        %mul3A_98 = arith.muli %scan3A_40, %mul3A_97 : i32
        %add3A_99 = arith.constant 7 : i32
        %add3A_100 = arith.addi %mul3A_98, %add3A_99 : i32
        %mul3A_101 = arith.constant 16 : i32
        %mul3A_102 = arith.muli %add3A_100, %mul3A_101 : i32
        %get3A_103 = arith.index_cast %mul3A_102 : i32 to index
        %get3A_104 = tpu.vector_load %arg4[%get3A_103] {strides = array<i32>} : memref<7168xi32, #tpu.memory_space<vmem>>, vector<16xi32>,
        %mul3A_105 = arith.constant 16 : i32
        %mul3A_106 = arith.muli %scan3A_40, %mul3A_105 : i32
        %add3A_107 = arith.constant 8 : i32
        %add3A_108 = arith.addi %mul3A_106, %add3A_107 : i32
        %mul3A_109 = arith.constant 16 : i32
        %mul3A_110 = arith.muli %add3A_108, %mul3A_109 : i32
        %get3A_111 = arith.index_cast %mul3A_110 : i32 to index
        %get3A_112 = tpu.vector_load %arg4[%get3A_111] {strides = array<i32>} : memref<7168xi32, #tpu.memory_space<vmem>>, vector<16xi32>,
        %mul3A_113 = arith.constant 16 : i32
        %mul3A_114 = arith.muli %scan3A_40, %mul3A_113 : i32
        %add3A_115 = arith.constant 9 : i32
        %add3A_116 = arith.addi %mul3A_114, %add3A_115 : i32
        %mul3A_117 = arith.constant 16 : i32
        %mul3A_118 = arith.muli %add3A_116, %mul3A_117 : i32
        %get3A_119 = arith.index_cast %mul3A_118 : i32 to index
        %get3A_120 = tpu.vector_load %arg4[%get3A_119] {strides = array<i32>} : memref<7168xi32, #tpu.memory_space<vmem>>, vector<16xi32>,
        %mul3A_121 = arith.constant 16 : i32
        %mul3A_122 = arith.muli %scan3A_40, %mul3A_121 : i32
        %add3A_123 = arith.constant 10 : i32
        %add3A_124 = arith.addi %mul3A_122, %add3A_123 : i32
        %mul3A_125 = arith.constant 16 : i32
        %mul3A_126 = arith.muli %add3A_124, %mul3A_125 : i32
        %get3A_127 = arith.index_cast %mul3A_126 : i32 to index
        %get3A_128 = tpu.vector_load %arg4[%get3A_127] {strides = array<i32>} : memref<7168xi32, #tpu.memory_space<vmem>>, vector<16xi32>,
        %mul3A_129 = arith.constant 16 : i32
        %mul3A_130 = arith.muli %scan3A_40, %mul3A_129 : i32
        %add3A_131 = arith.constant 11 : i32
        %add3A_132 = arith.addi %mul3A_130, %add3A_131 : i32
        %mul3A_133 = arith.constant 16 : i32
        %mul3A_134 = arith.muli %add3A_132, %mul3A_133 : i32
        %get3A_135 = arith.index_cast %mul3A_134 : i32 to index
        %get3A_136 = tpu.vector_load %arg4[%get3A_135] {strides = array<i32>} : memref<7168xi32, #tpu.memory_space<vmem>>, vector<16xi32>,
        %mul3A_137 = arith.constant 16 : i32
        %mul3A_138 = arith.muli %scan3A_40, %mul3A_137 : i32
        %add3A_139 = arith.constant 12 : i32
        %add3A_140 = arith.addi %mul3A_138, %add3A_139 : i32
        %mul3A_141 = arith.constant 16 : i32
        %mul3A_142 = arith.muli %add3A_140, %mul3A_141 : i32
        %get3A_143 = arith.index_cast %mul3A_142 : i32 to index
        %get3A_144 = tpu.vector_load %arg4[%get3A_143] {strides = array<i32>} : memref<7168xi32, #tpu.memory_space<vmem>>, vector<16xi32>,
        %mul3A_145 = arith.constant 16 : i32
        %mul3A_146 = arith.muli %scan3A_40, %mul3A_145 : i32
        %add3A_147 = arith.constant 13 : i32
        %add3A_148 = arith.addi %mul3A_146, %add3A_147 : i32
        %mul3A_149 = arith.constant 16 : i32
        %mul3A_150 = arith.muli %add3A_148, %mul3A_149 : i32
        %get3A_151 = arith.index_cast %mul3A_150 : i32 to index
        %get3A_152 = tpu.vector_load %arg4[%get3A_151] {strides = array<i32>} : memref<7168xi32, #tpu.memory_space<vmem>>, vector<16xi32>,
        %mul3A_153 = arith.constant 16 : i32
        %mul3A_154 = arith.muli %scan3A_40, %mul3A_153 : i32
        %add3A_155 = arith.constant 14 : i32
        %add3A_156 = arith.addi %mul3A_154, %add3A_155 : i32
        %mul3A_157 = arith.constant 16 : i32
        %mul3A_158 = arith.muli %add3A_156, %mul3A_157 : i32
        %get3A_159 = arith.index_cast %mul3A_158 : i32 to index
        %get3A_160 = tpu.vector_load %arg4[%get3A_159] {strides = array<i32>} : memref<7168xi32, #tpu.memory_space<vmem>>, vector<16xi32>,
        %mul3A_161 = arith.constant 16 : i32
        %mul3A_162 = arith.muli %scan3A_40, %mul3A_161 : i32
        %add3A_163 = arith.constant 15 : i32
        %add3A_164 = arith.addi %mul3A_162, %add3A_163 : i32
        %mul3A_165 = arith.constant 16 : i32
        %mul3A_166 = arith.muli %add3A_164, %mul3A_165 : i32
        %get3A_167 = arith.index_cast %mul3A_166 : i32 to index
        %get3A_168 = tpu.vector_load %arg4[%get3A_167] {strides = array<i32>} : memref<7168xi32, #tpu.memory_space<vmem>>, vector<16xi32>,
        %shift_right_logical3A = arith.constant 7 : i32
        %shift_right_logical3A_169 = vector.broadcast %shift_right_logical3A : i32 to vector<16xi32>
        %shift_right_logical3A_170 = arith.shrui %get3A_48, %shift_right_logical3A_169 : vector<16xi32>
        %and3A = arith.constant 127 : i32
        %and3A_171 = vector.broadcast %and3A : i32 to vector<16xi32>
        %and3A_172 = arith.andi %get3A_48, %and3A_171 : vector<16xi32>
        tpu.vector_store_idx %arg5[%shift_right_logical3A_170, %and3A_172], %broadcast_in_dim3A_15 {add = true} : memref<800x128xf32, #tpu.memory_space<vmem>>[vector<16xi32>, vector<16xi32>], vector<16xf32>,
        %shift_right_logical3A_173 = arith.constant 7 : i32
        %shift_right_logical3A_174 = vector.broadcast %shift_right_logical3A_173 : i32 to vector<16xi32>
        %shift_right_logical3A_175 = arith.shrui %get3A_56, %shift_right_logical3A_174 : vector<16xi32>
        %and3A_176 = arith.constant 127 : i32
        %and3A_177 = vector.broadcast %and3A_176 : i32 to vector<16xi32>
        %and3A_178 = arith.andi %get3A_56, %and3A_177 : vector<16xi32>
        tpu.vector_store_idx %arg5[%shift_right_logical3A_175, %and3A_178], %broadcast_in_dim3A_15 {add = true} : memref<800x128xf32, #tpu.memory_space<vmem>>[vector<16xi32>, vector<16xi32>], vector<16xf32>,
        %shift_right_logical3A_179 = arith.constant 7 : i32
        %shift_right_logical3A_180 = vector.broadcast %shift_right_logical3A_179 : i32 to vector<16xi32>
        %shift_right_logical3A_181 = arith.shrui %get3A_64, %shift_right_logical3A_180 : vector<16xi32>
        %and3A_182 = arith.constant 127 : i32
        %and3A_183 = vector.broadcast %and3A_182 : i32 to vector<16xi32>
        %and3A_184 = arith.andi %get3A_64, %and3A_183 : vector<16xi32>
        tpu.vector_store_idx %arg5[%shift_right_logical3A_181, %and3A_184], %broadcast_in_dim3A_15 {add = true} : memref<800x128xf32, #tpu.memory_space<vmem>>[vector<16xi32>, vector<16xi32>], vector<16xf32>,
        %shift_right_logical3A_185 = arith.constant 7 : i32
        %shift_right_logical3A_186 = vector.broadcast %shift_right_logical3A_185 : i32 to vector<16xi32>
        %shift_right_logical3A_187 = arith.shrui %get3A_72, %shift_right_logical3A_186 : vector<16xi32>
        %and3A_188 = arith.constant 127 : i32
        %and3A_189 = vector.broadcast %and3A_188 : i32 to vector<16xi32>
        %and3A_190 = arith.andi %get3A_72, %and3A_189 : vector<16xi32>
        tpu.vector_store_idx %arg5[%shift_right_logical3A_187, %and3A_190], %broadcast_in_dim3A_15 {add = true} : memref<800x128xf32, #tpu.memory_space<vmem>>[vector<16xi32>, vector<16xi32>], vector<16xf32>,
        %shift_right_logical3A_191 = arith.constant 7 : i32
        %shift_right_logical3A_192 = vector.broadcast %shift_right_logical3A_191 : i32 to vector<16xi32>
        %shift_right_logical3A_193 = arith.shrui %get3A_80, %shift_right_logical3A_192 : vector<16xi32>
        %and3A_194 = arith.constant 127 : i32
        %and3A_195 = vector.broadcast %and3A_194 : i32 to vector<16xi32>
        %and3A_196 = arith.andi %get3A_80, %and3A_195 : vector<16xi32>
        tpu.vector_store_idx %arg5[%shift_right_logical3A_193, %and3A_196], %broadcast_in_dim3A_15 {add = true} : memref<800x128xf32, #tpu.memory_space<vmem>>[vector<16xi32>, vector<16xi32>], vector<16xf32>,
        %shift_right_logical3A_197 = arith.constant 7 : i32
        %shift_right_logical3A_198 = vector.broadcast %shift_right_logical3A_197 : i32 to vector<16xi32>
        %shift_right_logical3A_199 = arith.shrui %get3A_88, %shift_right_logical3A_198 : vector<16xi32>
        %and3A_200 = arith.constant 127 : i32
        %and3A_201 = vector.broadcast %and3A_200 : i32 to vector<16xi32>
        %and3A_202 = arith.andi %get3A_88, %and3A_201 : vector<16xi32>
        tpu.vector_store_idx %arg5[%shift_right_logical3A_199, %and3A_202], %broadcast_in_dim3A_15 {add = true} : memref<800x128xf32, #tpu.memory_space<vmem>>[vector<16xi32>, vector<16xi32>], vector<16xf32>,
        %shift_right_logical3A_203 = arith.constant 7 : i32
        %shift_right_logical3A_204 = vector.broadcast %shift_right_logical3A_203 : i32 to vector<16xi32>
        %shift_right_logical3A_205 = arith.shrui %get3A_96, %shift_right_logical3A_204 : vector<16xi32>
        %and3A_206 = arith.constant 127 : i32
        %and3A_207 = vector.broadcast %and3A_206 : i32 to vector<16xi32>
        %and3A_208 = arith.andi %get3A_96, %and3A_207 : vector<16xi32>
        tpu.vector_store_idx %arg5[%shift_right_logical3A_205, %and3A_208], %broadcast_in_dim3A_15 {add = true} : memref<800x128xf32, #tpu.memory_space<vmem>>[vector<16xi32>, vector<16xi32>], vector<16xf32>,
        %shift_right_logical3A_209 = arith.constant 7 : i32
        %shift_right_logical3A_210 = vector.broadcast %shift_right_logical3A_209 : i32 to vector<16xi32>
        %shift_right_logical3A_211 = arith.shrui %get3A_104, %shift_right_logical3A_210 : vector<16xi32>
        %and3A_212 = arith.constant 127 : i32
        %and3A_213 = vector.broadcast %and3A_212 : i32 to vector<16xi32>
        %and3A_214 = arith.andi %get3A_104, %and3A_213 : vector<16xi32>
        tpu.vector_store_idx %arg5[%shift_right_logical3A_211, %and3A_214], %broadcast_in_dim3A_15 {add = true} : memref<800x128xf32, #tpu.memory_space<vmem>>[vector<16xi32>, vector<16xi32>], vector<16xf32>,
        %shift_right_logical3A_215 = arith.constant 7 : i32
        %shift_right_logical3A_216 = vector.broadcast %shift_right_logical3A_215 : i32 to vector<16xi32>
        %shift_right_logical3A_217 = arith.shrui %get3A_112, %shift_right_logical3A_216 : vector<16xi32>
        %and3A_218 = arith.constant 127 : i32
        %and3A_219 = vector.broadcast %and3A_218 : i32 to vector<16xi32>
        %and3A_220 = arith.andi %get3A_112, %and3A_219 : vector<16xi32>
        tpu.vector_store_idx %arg5[%shift_right_logical3A_217, %and3A_220], %broadcast_in_dim3A_15 {add = true} : memref<800x128xf32, #tpu.memory_space<vmem>>[vector<16xi32>, vector<16xi32>], vector<16xf32>,
        %shift_right_logical3A_221 = arith.constant 7 : i32
        %shift_right_logical3A_222 = vector.broadcast %shift_right_logical3A_221 : i32 to vector<16xi32>
        %shift_right_logical3A_223 = arith.shrui %get3A_120, %shift_right_logical3A_222 : vector<16xi32>
        %and3A_224 = arith.constant 127 : i32
        %and3A_225 = vector.broadcast %and3A_224 : i32 to vector<16xi32>
        %and3A_226 = arith.andi %get3A_120, %and3A_225 : vector<16xi32>
        tpu.vector_store_idx %arg5[%shift_right_logical3A_223, %and3A_226], %broadcast_in_dim3A_15 {add = true} : memref<800x128xf32, #tpu.memory_space<vmem>>[vector<16xi32>, vector<16xi32>], vector<16xf32>,
        %shift_right_logical3A_227 = arith.constant 7 : i32
        %shift_right_logical3A_228 = vector.broadcast %shift_right_logical3A_227 : i32 to vector<16xi32>
        %shift_right_logical3A_229 = arith.shrui %get3A_128, %shift_right_logical3A_228 : vector<16xi32>
        %and3A_230 = arith.constant 127 : i32
        %and3A_231 = vector.broadcast %and3A_230 : i32 to vector<16xi32>
        %and3A_232 = arith.andi %get3A_128, %and3A_231 : vector<16xi32>
        tpu.vector_store_idx %arg5[%shift_right_logical3A_229, %and3A_232], %broadcast_in_dim3A_15 {add = true} : memref<800x128xf32, #tpu.memory_space<vmem>>[vector<16xi32>, vector<16xi32>], vector<16xf32>,
        %shift_right_logical3A_233 = arith.constant 7 : i32
        %shift_right_logical3A_234 = vector.broadcast %shift_right_logical3A_233 : i32 to vector<16xi32>
        %shift_right_logical3A_235 = arith.shrui %get3A_136, %shift_right_logical3A_234 : vector<16xi32>
        %and3A_236 = arith.constant 127 : i32
        %and3A_237 = vector.broadcast %and3A_236 : i32 to vector<16xi32>
        %and3A_238 = arith.andi %get3A_136, %and3A_237 : vector<16xi32>
        tpu.vector_store_idx %arg5[%shift_right_logical3A_235, %and3A_238], %broadcast_in_dim3A_15 {add = true} : memref<800x128xf32, #tpu.memory_space<vmem>>[vector<16xi32>, vector<16xi32>], vector<16xf32>,
        %shift_right_logical3A_239 = arith.constant 7 : i32
        %shift_right_logical3A_240 = vector.broadcast %shift_right_logical3A_239 : i32 to vector<16xi32>
        %shift_right_logical3A_241 = arith.shrui %get3A_144, %shift_right_logical3A_240 : vector<16xi32>
        %and3A_242 = arith.constant 127 : i32
        %and3A_243 = vector.broadcast %and3A_242 : i32 to vector<16xi32>
        %and3A_244 = arith.andi %get3A_144, %and3A_243 : vector<16xi32>
        tpu.vector_store_idx %arg5[%shift_right_logical3A_241, %and3A_244], %broadcast_in_dim3A_15 {add = true} : memref<800x128xf32, #tpu.memory_space<vmem>>[vector<16xi32>, vector<16xi32>], vector<16xf32>,
        %shift_right_logical3A_245 = arith.constant 7 : i32
        %shift_right_logical3A_246 = vector.broadcast %shift_right_logical3A_245 : i32 to vector<16xi32>
        %shift_right_logical3A_247 = arith.shrui %get3A_152, %shift_right_logical3A_246 : vector<16xi32>
        %and3A_248 = arith.constant 127 : i32
        %and3A_249 = vector.broadcast %and3A_248 : i32 to vector<16xi32>
        %and3A_250 = arith.andi %get3A_152, %and3A_249 : vector<16xi32>
        tpu.vector_store_idx %arg5[%shift_right_logical3A_247, %and3A_250], %broadcast_in_dim3A_15 {add = true} : memref<800x128xf32, #tpu.memory_space<vmem>>[vector<16xi32>, vector<16xi32>], vector<16xf32>,
        %shift_right_logical3A_251 = arith.constant 7 : i32
        %shift_right_logical3A_252 = vector.broadcast %shift_right_logical3A_251 : i32 to vector<16xi32>
        %shift_right_logical3A_253 = arith.shrui %get3A_160, %shift_right_logical3A_252 : vector<16xi32>
        %and3A_254 = arith.constant 127 : i32
        %and3A_255 = vector.broadcast %and3A_254 : i32 to vector<16xi32>
        %and3A_256 = arith.andi %get3A_160, %and3A_255 : vector<16xi32>
        tpu.vector_store_idx %arg5[%shift_right_logical3A_253, %and3A_256], %broadcast_in_dim3A_15 {add = true} : memref<800x128xf32, #tpu.memory_space<vmem>>[vector<16xi32>, vector<16xi32>], vector<16xf32>,
        %shift_right_logical3A_257 = arith.constant 7 : i32
        %shift_right_logical3A_258 = vector.broadcast %shift_right_logical3A_257 : i32 to vector<16xi32>
        %shift_right_logical3A_259 = arith.shrui %get3A_168, %shift_right_logical3A_258 : vector<16xi32>
        %and3A_260 = arith.constant 127 : i32
        %and3A_261 = vector.broadcast %and3A_260 : i32 to vector<16xi32>
        %and3A_262 = arith.andi %get3A_168, %and3A_261 : vector<16xi32>
        tpu.vector_store_idx %arg5[%shift_right_logical3A_259, %and3A_262], %broadcast_in_dim3A_15 {add = true} : memref<800x128xf32, #tpu.memory_space<vmem>>[vector<16xi32>, vector<16xi32>], vector<16xf32>,
        %scan3A_263 = arith.constant 0 : i32
        scf.yield %scan3A_263 : i32
      }
      %scan3A_39 = arith.constant 24 : i32
    } else {
    }
    "tpu.region"() ({
      %run_scoped3A = tpu.sem_alloc : memref<!tpu.dma_semaphore, #tpu.memory_space<semaphore_mem>>
      %dma_start3A = arith.constant 0 : i32
      %dma_start3A_29 = arith.constant 0 : i32
      %dma_start3A_30 = tpu.memref_slice %arg3[%add3A, %dma_start3A, %dma_start3A_29] : memref<32x800x128xf32, #tpu.memory_space<hbm>> -> memref<1x800x128xf32, #tpu.memory_space<hbm>>
      %dma_start3A_31 = tpu.memref_squeeze %dma_start3A_30 : memref<1x800x128xf32, #tpu.memory_space<hbm>> -> memref<800x128xf32, #tpu.memory_space<hbm>>
      %dma_start3A_32 = arith.constant 0 : i32
      %dma_start3A_33 = arith.constant 0 : i32
      %dma_start3A_34 = tpu.memref_slice %arg3[%add3A, %dma_start3A_32, %dma_start3A_33] : memref<32x800x128xf32, #tpu.memory_space<hbm>> -> memref<1x800x128xf32, #tpu.memory_space<hbm>>
      %dma_start3A_35 = tpu.memref_squeeze %dma_start3A_34 : memref<1x800x128xf32, #tpu.memory_space<hbm>> -> memref<800x128xf32, #tpu.memory_space<hbm>>
      tpu.enqueue_dma source(%arg5 : memref<800x128xf32, #tpu.memory_space<vmem>>) target(%dma_start3A_35 : memref<800x128xf32, #tpu.memory_space<hbm>>) target_semaphore(%run_scoped3A : memref<!tpu.dma_semaphore, #tpu.memory_space<semaphore_mem>>)
      %dma_wait3A = arith.constant 0 : i32
      %dma_wait3A_36 = arith.constant 0 : i32
      %dma_wait3A_37 = tpu.memref_slice %arg3[%add3A, %dma_wait3A, %dma_wait3A_36] : memref<32x800x128xf32, #tpu.memory_space<hbm>> -> memref<1x800x128xf32, #tpu.memory_space<hbm>>
      %dma_wait3A_38 = tpu.memref_squeeze %dma_wait3A_37 : memref<1x800x128xf32, #tpu.memory_space<hbm>> -> memref<800x128xf32, #tpu.memory_space<hbm>>
      %dma_wait3A_39 = arith.constant 0 : i32
      %dma_wait3A_40 = arith.constant 0 : i32
      %dma_wait3A_41 = tpu.memref_slice %arg3[%add3A, %dma_wait3A_39, %dma_wait3A_40] : memref<32x800x128xf32, #tpu.memory_space<hbm>> -> memref<1x800x128xf32, #tpu.memory_space<hbm>>
      %dma_wait3A_42 = tpu.memref_squeeze %dma_wait3A_41 : memref<1x800x128xf32, #tpu.memory_space<hbm>> -> memref<800x128xf32, #tpu.memory_space<hbm>>
      tpu.wait_dma2 semaphore(%run_scoped3A : memref<!tpu.dma_semaphore, #tpu.memory_space<semaphore_mem>>) src(%arg5 : memref<800x128xf32, #tpu.memory_space<vmem>>) dst(%dma_wait3A_42 : memref<800x128xf32, #tpu.memory_space<hbm>>)
      tpu.yield
    }) : () -> ()
    return
  }
}

module attributes {stable_mosaic.version = 14 : i64} {
  func.func @_tc_body(%arg0: i32, %arg1: memref<32x32x128xf32, #tpu.memory_space<vmem>>, %arg2: memref<10000x32xf32, #tpu.memory_space<vmem>>, %arg3: memref<32x64xf32, #tpu.memory_space<vmem>>, %arg4: memref<1x64xf32, #tpu.memory_space<vmem>>, %arg5: memref<1x16xf32, #tpu.memory_space<vmem>>, %arg6: memref<1x16xf32, #tpu.memory_space<vmem>>, %arg7: memref<16x32xf32, #tpu.memory_space<vmem>>, %arg8: memref<1x32xf32, #tpu.memory_space<vmem>>, %arg9: memref<64x64xf32, #tpu.memory_space<vmem>>, %arg10: memref<32x64xf32, #tpu.memory_space<vmem>>, %arg11: memref<1x64xf32, #tpu.memory_space<vmem>>, %arg12: memref<1x64xf32, #tpu.memory_space<vmem>>, %arg13: memref<1x64xf32, #tpu.memory_space<vmem>>, %arg14: memref<4096x64xf32, #tpu.memory_space<vmem>>, %arg15: memref<20000x64xf32, #tpu.memory_space<vmem>>, %arg16: memref<128x128xf32, #tpu.memory_space<vmem>>) attributes {dimension_semantics = [#tpu.dimension_semantics<arbitrary>], iteration_bounds = array<i64: 25>, scalar_prefetch = 0 : i64, scratch_operands = 2 : i64, tpu.core_type = #tpu.core_type<tc>, window_params = [{transform_indices = @transform_0, window_bounds = array<i64: 32, 32, 128>}, {pipeline_mode = #tpu.pipeline_mode<synchronous>, transform_indices = @transform_1, window_bounds = array<i64: 10000, 32>}, {pipeline_mode = #tpu.pipeline_mode<synchronous>, transform_indices = @transform_2, window_bounds = array<i64: 32, 64>}, {pipeline_mode = #tpu.pipeline_mode<synchronous>, transform_indices = @transform_3, window_bounds = array<i64: 1, 64>}, {pipeline_mode = #tpu.pipeline_mode<synchronous>, transform_indices = @transform_4, window_bounds = array<i64: 1, 16>}, {pipeline_mode = #tpu.pipeline_mode<synchronous>, transform_indices = @transform_5, window_bounds = array<i64: 1, 16>}, {pipeline_mode = #tpu.pipeline_mode<synchronous>, transform_indices = @transform_6, window_bounds = array<i64: 16, 32>}, {pipeline_mode = #tpu.pipeline_mode<synchronous>, transform_indices = @transform_7, window_bounds = array<i64: 1, 32>}, {pipeline_mode = #tpu.pipeline_mode<synchronous>, transform_indices = @transform_8, window_bounds = array<i64: 64, 64>}, {pipeline_mode = #tpu.pipeline_mode<synchronous>, transform_indices = @transform_9, window_bounds = array<i64: 32, 64>}, {pipeline_mode = #tpu.pipeline_mode<synchronous>, transform_indices = @transform_10, window_bounds = array<i64: 1, 64>}, {pipeline_mode = #tpu.pipeline_mode<synchronous>, transform_indices = @transform_11, window_bounds = array<i64: 1, 64>}, {pipeline_mode = #tpu.pipeline_mode<synchronous>, transform_indices = @transform_12, window_bounds = array<i64: 1, 64>}, {transform_indices = @transform_13, window_bounds = array<i64: 4096, 64>}]} {
    %eq3A = arith.constant 0 : i32
    %eq3A_0 = arith.cmpi eq, %arg0, %eq3A : i32
    %convert_element_type3A = arith.extui %eq3A_0 : i1 to i32
    %cond3A = arith.constant 0 : i32
    %cond3A_1 = arith.cmpi ne, %convert_element_type3A, %cond3A : i32
    scf.if %cond3A_1 {
      %get3A_169 = arith.constant 0 : index
      %get3A_170 = arith.constant 0 : index
      %get3A_171 = vector.load %arg2[%get3A_169, %get3A_170] : memref<10000x32xf32, #tpu.memory_space<vmem>>, vector<10000x32xf32>
      %max3A_172 = arith.constant 0.000000e+00 : f32
      %max3A_173 = vector.broadcast %max3A_172 : f32 to vector<10000x32xf32>
      %max3A_174 = arith.maximumf %get3A_171, %max3A_173 : vector<10000x32xf32>
      %get3A_175 = arith.constant 0 : index
      %get3A_176 = arith.constant 0 : index
      %get3A_177 = vector.load %arg3[%get3A_175, %get3A_176] : memref<32x64xf32, #tpu.memory_space<vmem>>, vector<32x64xf32>
      %dot_general3A_178 = arith.constant dense<0.000000e+00> : vector<10000x64xf32>
      %dot_general3A_179 = tpu.matmul %max3A_174, %get3A_177, %dot_general3A_178 {dimension_numbers = #tpu.dot_dimension_numbers<[1], [0], [0], [1], [0, 0, 1, 1], [], []>, transpose_lhs_hint = false} : vector<10000x32xf32>, vector<32x64xf32>, vector<10000x64xf32> -> vector<10000x64xf32>
      %get3A_180 = arith.constant 0 : index
      %get3A_181 = arith.constant 0 : index
      %get3A_182 = vector.load %arg4[%get3A_180, %get3A_181] : memref<1x64xf32, #tpu.memory_space<vmem>>, vector<1x64xf32>
      %add3A_183 = vector.broadcast %get3A_182 : vector<1x64xf32> to vector<10000x64xf32>
      %add3A_184 = arith.addf %dot_general3A_179, %add3A_183 : vector<10000x64xf32>
      %get3A_185 = arith.constant 0 : index
      %get3A_186 = arith.constant 0 : index
      %get3A_187 = vector.load %arg9[%get3A_185, %get3A_186] : memref<64x64xf32, #tpu.memory_space<vmem>>, vector<64x64xf32>
      %dot_general3A_188 = arith.constant dense<0.000000e+00> : vector<10000x64xf32>
      %dot_general3A_189 = tpu.matmul %add3A_184, %get3A_187, %dot_general3A_188 {dimension_numbers = #tpu.dot_dimension_numbers<[1], [0], [0], [1], [0, 0, 1, 1], [], []>, transpose_lhs_hint = false} : vector<10000x64xf32>, vector<64x64xf32>, vector<10000x64xf32> -> vector<10000x64xf32>
      %get3A_190 = arith.constant 0 : index
      %get3A_191 = arith.constant 0 : index
      %get3A_192 = vector.load %arg11[%get3A_190, %get3A_191] : memref<1x64xf32, #tpu.memory_space<vmem>>, vector<1x64xf32>
      %add3A_193 = vector.broadcast %get3A_192 : vector<1x64xf32> to vector<10000x64xf32>
      %add3A_194 = arith.addf %dot_general3A_189, %add3A_193 : vector<10000x64xf32>
      %swap3A_195 = arith.constant 0 : index
      %swap3A_196 = arith.constant 0 : index
      %swap3A_197 = vector.load %arg15[%swap3A_195, %swap3A_196] : memref<20000x64xf32, #tpu.memory_space<vmem>>, vector<10000x64xf32>
      tpu.vector_store %arg15[%swap3A_195, %swap3A_196], %add3A_194 {strides = array<i32>} : memref<20000x64xf32, #tpu.memory_space<vmem>>, vector<10000x64xf32>,
      %swap3A_198 = arith.constant 10000 : index
      %swap3A_199 = arith.constant 0 : index
      %swap3A_200 = vector.load %arg15[%swap3A_198, %swap3A_199] : memref<20000x64xf32, #tpu.memory_space<vmem>>, vector<10000x64xf32>
      tpu.vector_store %arg15[%swap3A_198, %swap3A_199], %add3A_194 {strides = array<i32>} : memref<20000x64xf32, #tpu.memory_space<vmem>>, vector<10000x64xf32>,
      %iota3A = tpu.iota {dimensions = array<i32: 0>} : vector<128x128xi32>
      %iota3A_201 = tpu.iota {dimensions = array<i32: 1>} : vector<128x128xi32>
      %eq3A_202 = arith.cmpi eq, %iota3A, %iota3A_201 : vector<128x128xi32>
      %convert_element_type3A_203 = arith.extui %eq3A_202 : vector<128x128xi1> to vector<128x128xi32>
      %convert_element_type3A_204 = arith.sitofp %convert_element_type3A_203 : vector<128x128xi32> to vector<128x128xf32>
      %swap3A_205 = arith.constant 0 : index
      %swap3A_206 = arith.constant 0 : index
      %swap3A_207 = vector.load %arg16[%swap3A_205, %swap3A_206] : memref<128x128xf32, #tpu.memory_space<vmem>>, vector<128x128xf32>
      tpu.vector_store %arg16[%swap3A_205, %swap3A_206], %convert_element_type3A_204 {strides = array<i32>} : memref<128x128xf32, #tpu.memory_space<vmem>>, vector<128x128xf32>,
    } else {
    }
    %get3A = arith.constant 0 : index
    %get3A_2 = arith.constant 0 : index
    %get3A_3 = arith.constant 0 : index
    %get3A_4 = vector.load %arg1[%get3A, %get3A_2, %get3A_3] : memref<32x32x128xf32, #tpu.memory_space<vmem>>, vector<32x32x128xf32>
    %reduce_sum3A = arith.constant dense<0.000000e+00> : vector<32x128xf32>
    %reduce_sum3A_5 = vector.multi_reduction <add>, %get3A_4, %reduce_sum3A [0] : vector<32x32x128xf32> to vector<32x128xf32>
    %get3A_6 = arith.constant 0 : index
    %get3A_7 = arith.constant 0 : index
    %get3A_8 = vector.load %arg16[%get3A_6, %get3A_7] : memref<128x128xf32, #tpu.memory_space<vmem>>, vector<128x128xf32>
    %dot_general3A = arith.constant dense<0.000000e+00> : vector<128x32xf32>
    %dot_general3A_9 = tpu.matmul %get3A_8, %reduce_sum3A_5, %dot_general3A {dimension_numbers = #tpu.dot_dimension_numbers<[0], [1], [1], [0], [0, 1, 1, 0], [], []>, transpose_lhs_hint = false} : vector<128x128xf32>, vector<32x128xf32>, vector<128x32xf32> -> vector<128x32xf32>
    %slice3A = vector.extract_strided_slice %dot_general3A_9 {offsets = [0, 0], sizes = [128, 1], strides = [1, 1]} : vector<128x32xf32> to vector<128x1xf32>
    %broadcast_in_dim3A = vector.shape_cast %slice3A : vector<128x1xf32> to vector<128x1xf32>
    %broadcast_in_dim3A_10 = vector.broadcast %broadcast_in_dim3A : vector<128x1xf32> to vector<128x16xf32>
    %slice3A_11 = vector.extract_strided_slice %dot_general3A_9 {offsets = [0, 1], sizes = [128, 1], strides = [1, 1]} : vector<128x32xf32> to vector<128x1xf32>
    %broadcast_in_dim3A_12 = vector.shape_cast %slice3A_11 : vector<128x1xf32> to vector<128x1xf32>
    %broadcast_in_dim3A_13 = vector.broadcast %broadcast_in_dim3A_12 : vector<128x1xf32> to vector<128x16xf32>
    %slice3A_14 = vector.extract_strided_slice %dot_general3A_9 {offsets = [0, 2], sizes = [128, 1], strides = [1, 1]} : vector<128x32xf32> to vector<128x1xf32>
    %broadcast_in_dim3A_15 = vector.shape_cast %slice3A_14 : vector<128x1xf32> to vector<128x1xf32>
    %broadcast_in_dim3A_16 = vector.broadcast %broadcast_in_dim3A_15 : vector<128x1xf32> to vector<128x16xf32>
    %slice3A_17 = vector.extract_strided_slice %dot_general3A_9 {offsets = [0, 3], sizes = [128, 1], strides = [1, 1]} : vector<128x32xf32> to vector<128x1xf32>
    %broadcast_in_dim3A_18 = vector.shape_cast %slice3A_17 : vector<128x1xf32> to vector<128x1xf32>
    %broadcast_in_dim3A_19 = vector.broadcast %broadcast_in_dim3A_18 : vector<128x1xf32> to vector<128x16xf32>
    %slice3A_20 = vector.extract_strided_slice %dot_general3A_9 {offsets = [0, 4], sizes = [128, 1], strides = [1, 1]} : vector<128x32xf32> to vector<128x1xf32>
    %broadcast_in_dim3A_21 = vector.shape_cast %slice3A_20 : vector<128x1xf32> to vector<128x1xf32>
    %broadcast_in_dim3A_22 = vector.broadcast %broadcast_in_dim3A_21 : vector<128x1xf32> to vector<128x16xf32>
    %slice3A_23 = vector.extract_strided_slice %dot_general3A_9 {offsets = [0, 5], sizes = [128, 1], strides = [1, 1]} : vector<128x32xf32> to vector<128x1xf32>
    %broadcast_in_dim3A_24 = vector.shape_cast %slice3A_23 : vector<128x1xf32> to vector<128x1xf32>
    %broadcast_in_dim3A_25 = vector.broadcast %broadcast_in_dim3A_24 : vector<128x1xf32> to vector<128x16xf32>
    %slice3A_26 = vector.extract_strided_slice %dot_general3A_9 {offsets = [0, 6], sizes = [128, 1], strides = [1, 1]} : vector<128x32xf32> to vector<128x1xf32>
    %broadcast_in_dim3A_27 = vector.shape_cast %slice3A_26 : vector<128x1xf32> to vector<128x1xf32>
    %broadcast_in_dim3A_28 = vector.broadcast %broadcast_in_dim3A_27 : vector<128x1xf32> to vector<128x16xf32>
    %slice3A_29 = vector.extract_strided_slice %dot_general3A_9 {offsets = [0, 7], sizes = [128, 1], strides = [1, 1]} : vector<128x32xf32> to vector<128x1xf32>
    %broadcast_in_dim3A_30 = vector.shape_cast %slice3A_29 : vector<128x1xf32> to vector<128x1xf32>
    %broadcast_in_dim3A_31 = vector.broadcast %broadcast_in_dim3A_30 : vector<128x1xf32> to vector<128x16xf32>
    %slice3A_32 = vector.extract_strided_slice %dot_general3A_9 {offsets = [0, 8], sizes = [128, 1], strides = [1, 1]} : vector<128x32xf32> to vector<128x1xf32>
    %broadcast_in_dim3A_33 = vector.shape_cast %slice3A_32 : vector<128x1xf32> to vector<128x1xf32>
    %broadcast_in_dim3A_34 = vector.broadcast %broadcast_in_dim3A_33 : vector<128x1xf32> to vector<128x16xf32>
    %slice3A_35 = vector.extract_strided_slice %dot_general3A_9 {offsets = [0, 9], sizes = [128, 1], strides = [1, 1]} : vector<128x32xf32> to vector<128x1xf32>
    %broadcast_in_dim3A_36 = vector.shape_cast %slice3A_35 : vector<128x1xf32> to vector<128x1xf32>
    %broadcast_in_dim3A_37 = vector.broadcast %broadcast_in_dim3A_36 : vector<128x1xf32> to vector<128x16xf32>
    %slice3A_38 = vector.extract_strided_slice %dot_general3A_9 {offsets = [0, 10], sizes = [128, 1], strides = [1, 1]} : vector<128x32xf32> to vector<128x1xf32>
    %broadcast_in_dim3A_39 = vector.shape_cast %slice3A_38 : vector<128x1xf32> to vector<128x1xf32>
    %broadcast_in_dim3A_40 = vector.broadcast %broadcast_in_dim3A_39 : vector<128x1xf32> to vector<128x16xf32>
    %slice3A_41 = vector.extract_strided_slice %dot_general3A_9 {offsets = [0, 11], sizes = [128, 1], strides = [1, 1]} : vector<128x32xf32> to vector<128x1xf32>
    %broadcast_in_dim3A_42 = vector.shape_cast %slice3A_41 : vector<128x1xf32> to vector<128x1xf32>
    %broadcast_in_dim3A_43 = vector.broadcast %broadcast_in_dim3A_42 : vector<128x1xf32> to vector<128x16xf32>
    %slice3A_44 = vector.extract_strided_slice %dot_general3A_9 {offsets = [0, 12], sizes = [128, 1], strides = [1, 1]} : vector<128x32xf32> to vector<128x1xf32>
    %broadcast_in_dim3A_45 = vector.shape_cast %slice3A_44 : vector<128x1xf32> to vector<128x1xf32>
    %broadcast_in_dim3A_46 = vector.broadcast %broadcast_in_dim3A_45 : vector<128x1xf32> to vector<128x16xf32>
    %slice3A_47 = vector.extract_strided_slice %dot_general3A_9 {offsets = [0, 13], sizes = [128, 1], strides = [1, 1]} : vector<128x32xf32> to vector<128x1xf32>
    %broadcast_in_dim3A_48 = vector.shape_cast %slice3A_47 : vector<128x1xf32> to vector<128x1xf32>
    %broadcast_in_dim3A_49 = vector.broadcast %broadcast_in_dim3A_48 : vector<128x1xf32> to vector<128x16xf32>
    %slice3A_50 = vector.extract_strided_slice %dot_general3A_9 {offsets = [0, 14], sizes = [128, 1], strides = [1, 1]} : vector<128x32xf32> to vector<128x1xf32>
    %broadcast_in_dim3A_51 = vector.shape_cast %slice3A_50 : vector<128x1xf32> to vector<128x1xf32>
    %broadcast_in_dim3A_52 = vector.broadcast %broadcast_in_dim3A_51 : vector<128x1xf32> to vector<128x16xf32>
    %slice3A_53 = vector.extract_strided_slice %dot_general3A_9 {offsets = [0, 15], sizes = [128, 1], strides = [1, 1]} : vector<128x32xf32> to vector<128x1xf32>
    %broadcast_in_dim3A_54 = vector.shape_cast %slice3A_53 : vector<128x1xf32> to vector<128x1xf32>
    %broadcast_in_dim3A_55 = vector.broadcast %broadcast_in_dim3A_54 : vector<128x1xf32> to vector<128x16xf32>
    %slice3A_56 = vector.extract_strided_slice %dot_general3A_9 {offsets = [0, 16], sizes = [128, 1], strides = [1, 1]} : vector<128x32xf32> to vector<128x1xf32>
    %broadcast_in_dim3A_57 = vector.shape_cast %slice3A_56 : vector<128x1xf32> to vector<128x1xf32>
    %broadcast_in_dim3A_58 = vector.broadcast %broadcast_in_dim3A_57 : vector<128x1xf32> to vector<128x16xf32>
    %slice3A_59 = vector.extract_strided_slice %dot_general3A_9 {offsets = [0, 17], sizes = [128, 1], strides = [1, 1]} : vector<128x32xf32> to vector<128x1xf32>
    %broadcast_in_dim3A_60 = vector.shape_cast %slice3A_59 : vector<128x1xf32> to vector<128x1xf32>
    %broadcast_in_dim3A_61 = vector.broadcast %broadcast_in_dim3A_60 : vector<128x1xf32> to vector<128x16xf32>
    %slice3A_62 = vector.extract_strided_slice %dot_general3A_9 {offsets = [0, 18], sizes = [128, 1], strides = [1, 1]} : vector<128x32xf32> to vector<128x1xf32>
    %broadcast_in_dim3A_63 = vector.shape_cast %slice3A_62 : vector<128x1xf32> to vector<128x1xf32>
    %broadcast_in_dim3A_64 = vector.broadcast %broadcast_in_dim3A_63 : vector<128x1xf32> to vector<128x16xf32>
    %slice3A_65 = vector.extract_strided_slice %dot_general3A_9 {offsets = [0, 19], sizes = [128, 1], strides = [1, 1]} : vector<128x32xf32> to vector<128x1xf32>
    %broadcast_in_dim3A_66 = vector.shape_cast %slice3A_65 : vector<128x1xf32> to vector<128x1xf32>
    %broadcast_in_dim3A_67 = vector.broadcast %broadcast_in_dim3A_66 : vector<128x1xf32> to vector<128x16xf32>
    %slice3A_68 = vector.extract_strided_slice %dot_general3A_9 {offsets = [0, 20], sizes = [128, 1], strides = [1, 1]} : vector<128x32xf32> to vector<128x1xf32>
    %broadcast_in_dim3A_69 = vector.shape_cast %slice3A_68 : vector<128x1xf32> to vector<128x1xf32>
    %broadcast_in_dim3A_70 = vector.broadcast %broadcast_in_dim3A_69 : vector<128x1xf32> to vector<128x16xf32>
    %slice3A_71 = vector.extract_strided_slice %dot_general3A_9 {offsets = [0, 21], sizes = [128, 1], strides = [1, 1]} : vector<128x32xf32> to vector<128x1xf32>
    %broadcast_in_dim3A_72 = vector.shape_cast %slice3A_71 : vector<128x1xf32> to vector<128x1xf32>
    %broadcast_in_dim3A_73 = vector.broadcast %broadcast_in_dim3A_72 : vector<128x1xf32> to vector<128x16xf32>
    %slice3A_74 = vector.extract_strided_slice %dot_general3A_9 {offsets = [0, 22], sizes = [128, 1], strides = [1, 1]} : vector<128x32xf32> to vector<128x1xf32>
    %broadcast_in_dim3A_75 = vector.shape_cast %slice3A_74 : vector<128x1xf32> to vector<128x1xf32>
    %broadcast_in_dim3A_76 = vector.broadcast %broadcast_in_dim3A_75 : vector<128x1xf32> to vector<128x16xf32>
    %slice3A_77 = vector.extract_strided_slice %dot_general3A_9 {offsets = [0, 23], sizes = [128, 1], strides = [1, 1]} : vector<128x32xf32> to vector<128x1xf32>
    %broadcast_in_dim3A_78 = vector.shape_cast %slice3A_77 : vector<128x1xf32> to vector<128x1xf32>
    %broadcast_in_dim3A_79 = vector.broadcast %broadcast_in_dim3A_78 : vector<128x1xf32> to vector<128x16xf32>
    %slice3A_80 = vector.extract_strided_slice %dot_general3A_9 {offsets = [0, 24], sizes = [128, 1], strides = [1, 1]} : vector<128x32xf32> to vector<128x1xf32>
    %broadcast_in_dim3A_81 = vector.shape_cast %slice3A_80 : vector<128x1xf32> to vector<128x1xf32>
    %broadcast_in_dim3A_82 = vector.broadcast %broadcast_in_dim3A_81 : vector<128x1xf32> to vector<128x16xf32>
    %slice3A_83 = vector.extract_strided_slice %dot_general3A_9 {offsets = [0, 25], sizes = [128, 1], strides = [1, 1]} : vector<128x32xf32> to vector<128x1xf32>
    %broadcast_in_dim3A_84 = vector.shape_cast %slice3A_83 : vector<128x1xf32> to vector<128x1xf32>
    %broadcast_in_dim3A_85 = vector.broadcast %broadcast_in_dim3A_84 : vector<128x1xf32> to vector<128x16xf32>
    %slice3A_86 = vector.extract_strided_slice %dot_general3A_9 {offsets = [0, 26], sizes = [128, 1], strides = [1, 1]} : vector<128x32xf32> to vector<128x1xf32>
    %broadcast_in_dim3A_87 = vector.shape_cast %slice3A_86 : vector<128x1xf32> to vector<128x1xf32>
    %broadcast_in_dim3A_88 = vector.broadcast %broadcast_in_dim3A_87 : vector<128x1xf32> to vector<128x16xf32>
    %slice3A_89 = vector.extract_strided_slice %dot_general3A_9 {offsets = [0, 27], sizes = [128, 1], strides = [1, 1]} : vector<128x32xf32> to vector<128x1xf32>
    %broadcast_in_dim3A_90 = vector.shape_cast %slice3A_89 : vector<128x1xf32> to vector<128x1xf32>
    %broadcast_in_dim3A_91 = vector.broadcast %broadcast_in_dim3A_90 : vector<128x1xf32> to vector<128x16xf32>
    %slice3A_92 = vector.extract_strided_slice %dot_general3A_9 {offsets = [0, 28], sizes = [128, 1], strides = [1, 1]} : vector<128x32xf32> to vector<128x1xf32>
    %broadcast_in_dim3A_93 = vector.shape_cast %slice3A_92 : vector<128x1xf32> to vector<128x1xf32>
    %broadcast_in_dim3A_94 = vector.broadcast %broadcast_in_dim3A_93 : vector<128x1xf32> to vector<128x16xf32>
    %slice3A_95 = vector.extract_strided_slice %dot_general3A_9 {offsets = [0, 29], sizes = [128, 1], strides = [1, 1]} : vector<128x32xf32> to vector<128x1xf32>
    %broadcast_in_dim3A_96 = vector.shape_cast %slice3A_95 : vector<128x1xf32> to vector<128x1xf32>
    %broadcast_in_dim3A_97 = vector.broadcast %broadcast_in_dim3A_96 : vector<128x1xf32> to vector<128x16xf32>
    %slice3A_98 = vector.extract_strided_slice %dot_general3A_9 {offsets = [0, 30], sizes = [128, 1], strides = [1, 1]} : vector<128x32xf32> to vector<128x1xf32>
    %broadcast_in_dim3A_99 = vector.shape_cast %slice3A_98 : vector<128x1xf32> to vector<128x1xf32>
    %broadcast_in_dim3A_100 = vector.broadcast %broadcast_in_dim3A_99 : vector<128x1xf32> to vector<128x16xf32>
    %slice3A_101 = vector.extract_strided_slice %dot_general3A_9 {offsets = [0, 31], sizes = [128, 1], strides = [1, 1]} : vector<128x32xf32> to vector<128x1xf32>
    %broadcast_in_dim3A_102 = vector.shape_cast %slice3A_101 : vector<128x1xf32> to vector<128x1xf32>
    %broadcast_in_dim3A_103 = vector.broadcast %broadcast_in_dim3A_102 : vector<128x1xf32> to vector<128x16xf32>
    %concatenate3A = tpu.concatenate %broadcast_in_dim3A_10, %broadcast_in_dim3A_13, %broadcast_in_dim3A_16, %broadcast_in_dim3A_19, %broadcast_in_dim3A_22, %broadcast_in_dim3A_25, %broadcast_in_dim3A_28, %broadcast_in_dim3A_31, %broadcast_in_dim3A_34, %broadcast_in_dim3A_37, %broadcast_in_dim3A_40, %broadcast_in_dim3A_43, %broadcast_in_dim3A_46, %broadcast_in_dim3A_49, %broadcast_in_dim3A_52, %broadcast_in_dim3A_55, %broadcast_in_dim3A_58, %broadcast_in_dim3A_61, %broadcast_in_dim3A_64, %broadcast_in_dim3A_67, %broadcast_in_dim3A_70, %broadcast_in_dim3A_73, %broadcast_in_dim3A_76, %broadcast_in_dim3A_79, %broadcast_in_dim3A_82, %broadcast_in_dim3A_85, %broadcast_in_dim3A_88, %broadcast_in_dim3A_91, %broadcast_in_dim3A_94, %broadcast_in_dim3A_97, %broadcast_in_dim3A_100, %broadcast_in_dim3A_103 in 0 : vector<128x16xf32>, vector<128x16xf32>, vector<128x16xf32>, vector<128x16xf32>, vector<128x16xf32>, vector<128x16xf32>, vector<128x16xf32>, vector<128x16xf32>, vector<128x16xf32>, vector<128x16xf32>, vector<128x16xf32>, vector<128x16xf32>, vector<128x16xf32>, vector<128x16xf32>, vector<128x16xf32>, vector<128x16xf32>, vector<128x16xf32>, vector<128x16xf32>, vector<128x16xf32>, vector<128x16xf32>, vector<128x16xf32>, vector<128x16xf32>, vector<128x16xf32>, vector<128x16xf32>, vector<128x16xf32>, vector<128x16xf32>, vector<128x16xf32>, vector<128x16xf32>, vector<128x16xf32>, vector<128x16xf32>, vector<128x16xf32>, vector<128x16xf32> -> vector<4096x16xf32>
    %get3A_104 = arith.constant 0 : index
    %get3A_105 = arith.constant 0 : index
    %get3A_106 = vector.load %arg5[%get3A_104, %get3A_105] : memref<1x16xf32, #tpu.memory_space<vmem>>, vector<1x16xf32>
    %mul3A = vector.broadcast %get3A_106 : vector<1x16xf32> to vector<4096x16xf32>
    %mul3A_107 = arith.mulf %concatenate3A, %mul3A : vector<4096x16xf32>
    %get3A_108 = arith.constant 0 : index
    %get3A_109 = arith.constant 0 : index
    %get3A_110 = vector.load %arg6[%get3A_108, %get3A_109] : memref<1x16xf32, #tpu.memory_space<vmem>>, vector<1x16xf32>
    %add3A = vector.broadcast %get3A_110 : vector<1x16xf32> to vector<4096x16xf32>
    %add3A_111 = arith.addf %mul3A_107, %add3A : vector<4096x16xf32>
    %max3A = arith.constant 0.000000e+00 : f32
    %max3A_112 = vector.broadcast %max3A : f32 to vector<4096x16xf32>
    %max3A_113 = arith.maximumf %add3A_111, %max3A_112 : vector<4096x16xf32>
    %get3A_114 = arith.constant 0 : index
    %get3A_115 = arith.constant 0 : index
    %get3A_116 = vector.load %arg7[%get3A_114, %get3A_115] : memref<16x32xf32, #tpu.memory_space<vmem>>, vector<16x32xf32>
    %dot_general3A_117 = arith.constant dense<0.000000e+00> : vector<4096x32xf32>
    %dot_general3A_118 = tpu.matmul %max3A_113, %get3A_116, %dot_general3A_117 {dimension_numbers = #tpu.dot_dimension_numbers<[1], [0], [0], [1], [0, 0, 1, 1], [], []>, transpose_lhs_hint = false} : vector<4096x16xf32>, vector<16x32xf32>, vector<4096x32xf32> -> vector<4096x32xf32>
    %get3A_119 = arith.constant 0 : index
    %get3A_120 = arith.constant 0 : index
    %get3A_121 = vector.load %arg8[%get3A_119, %get3A_120] : memref<1x32xf32, #tpu.memory_space<vmem>>, vector<1x32xf32>
    %add3A_122 = vector.broadcast %get3A_121 : vector<1x32xf32> to vector<4096x32xf32>
    %add3A_123 = arith.addf %dot_general3A_118, %add3A_122 : vector<4096x32xf32>
    %get3A_124 = arith.constant 0 : index
    %get3A_125 = arith.constant 0 : index
    %get3A_126 = vector.load %arg10[%get3A_124, %get3A_125] : memref<32x64xf32, #tpu.memory_space<vmem>>, vector<32x64xf32>
    %dot_general3A_127 = arith.constant dense<0.000000e+00> : vector<4096x64xf32>
    %dot_general3A_128 = tpu.matmul %add3A_123, %get3A_126, %dot_general3A_127 {dimension_numbers = #tpu.dot_dimension_numbers<[1], [0], [0], [1], [0, 0, 1, 1], [], []>, transpose_lhs_hint = false} : vector<4096x32xf32>, vector<32x64xf32>, vector<4096x64xf32> -> vector<4096x64xf32>
    %mul3A_129 = arith.constant 4096 : i32
    %mul3A_130 = arith.muli %arg0, %mul3A_129 : i32
    %rem3A = arith.constant 10000 : i32
    %rem3A_131 = arith.remsi %mul3A_130, %rem3A : i32
    %get3A_132 = arith.index_cast %rem3A_131 : i32 to index
    %get3A_133 = arith.constant 0 : index
    %get3A_134 = vector.load %arg15[%get3A_132, %get3A_133] : memref<20000x64xf32, #tpu.memory_space<vmem>>, vector<4096x64xf32>
    %add3A_135 = arith.addf %get3A_134, %dot_general3A_128 : vector<4096x64xf32>
    %max3A_136 = arith.constant 0.000000e+00 : f32
    %max3A_137 = vector.broadcast %max3A_136 : f32 to vector<4096x64xf32>
    %max3A_138 = arith.maximumf %add3A_135, %max3A_137 : vector<4096x64xf32>
    %reduce_sum3A_139 = arith.constant dense<0.000000e+00> : vector<4096xf32>
    %reduce_sum3A_140 = vector.multi_reduction <add>, %max3A_138, %reduce_sum3A_139 [1] : vector<4096x64xf32> to vector<4096xf32>
    %broadcast_in_dim3A_141 = vector.shape_cast %reduce_sum3A_140 : vector<4096xf32> to vector<4096x1xf32>
    %div3A = arith.constant 6.400000e+01 : f32
    %div3A_142 = vector.broadcast %div3A : f32 to vector<4096x1xf32>
    %div3A_143 = arith.divf %broadcast_in_dim3A_141, %div3A_142 : vector<4096x1xf32>
    %sub3A = vector.broadcast %div3A_143 : vector<4096x1xf32> to vector<4096x64xf32>
    %sub3A_144 = arith.subf %max3A_138, %sub3A : vector<4096x64xf32>
    %mul3A_145 = arith.mulf %sub3A_144, %sub3A_144 : vector<4096x64xf32>
    %reduce_sum3A_146 = arith.constant dense<0.000000e+00> : vector<4096xf32>
    %reduce_sum3A_147 = vector.multi_reduction <add>, %mul3A_145, %reduce_sum3A_146 [1] : vector<4096x64xf32> to vector<4096xf32>
    %broadcast_in_dim3A_148 = vector.shape_cast %reduce_sum3A_147 : vector<4096xf32> to vector<4096x1xf32>
    %div3A_149 = arith.constant 6.400000e+01 : f32
    %div3A_150 = vector.broadcast %div3A_149 : f32 to vector<4096x1xf32>
    %div3A_151 = arith.divf %broadcast_in_dim3A_148, %div3A_150 : vector<4096x1xf32>
    %add3A_152 = arith.constant 9.99999974E-6 : f32
    %add3A_153 = vector.broadcast %add3A_152 : f32 to vector<4096x1xf32>
    %add3A_154 = arith.addf %div3A_151, %add3A_153 : vector<4096x1xf32>
    %rsqrt3A = math.rsqrt %add3A_154 : vector<4096x1xf32>
    %mul3A_155 = vector.broadcast %rsqrt3A : vector<4096x1xf32> to vector<4096x64xf32>
    %mul3A_156 = arith.mulf %sub3A_144, %mul3A_155 : vector<4096x64xf32>
    %get3A_157 = arith.constant 0 : index
    %get3A_158 = arith.constant 0 : index
    %get3A_159 = vector.load %arg12[%get3A_157, %get3A_158] : memref<1x64xf32, #tpu.memory_space<vmem>>, vector<1x64xf32>
    %mul3A_160 = vector.broadcast %get3A_159 : vector<1x64xf32> to vector<4096x64xf32>
    %mul3A_161 = arith.mulf %mul3A_156, %mul3A_160 : vector<4096x64xf32>
    %get3A_162 = arith.constant 0 : index
    %get3A_163 = arith.constant 0 : index
    %get3A_164 = vector.load %arg13[%get3A_162, %get3A_163] : memref<1x64xf32, #tpu.memory_space<vmem>>, vector<1x64xf32>
    %add3A_165 = vector.broadcast %get3A_164 : vector<1x64xf32> to vector<4096x64xf32>
    %add3A_166 = arith.addf %mul3A_161, %add3A_165 : vector<4096x64xf32>
    %swap3A = arith.constant 0 : index
    %swap3A_167 = arith.constant 0 : index
    %swap3A_168 = vector.load %arg14[%swap3A, %swap3A_167] : memref<4096x64xf32, #tpu.memory_space<vmem>>, vector<4096x64xf32>
    tpu.vector_store %arg14[%swap3A, %swap3A_167], %add3A_166 {strides = array<i32>} : memref<4096x64xf32, #tpu.memory_space<vmem>>, vector<4096x64xf32>,
    return
  }
  func.func @transform_0(%arg0: i32) -> (i32, i32, i32) {
    %c0_i32 = arith.constant 0 : i32
    %c0_i32_0 = arith.constant 0 : i32
    %c0_i32_1 = arith.constant 0 : i32
    return %c0_i32, %arg0, %c0_i32_0 : i32, i32, i32
  }
  func.func @transform_1(%arg0: i32) -> (i32, i32) {
    %c0_i32 = arith.constant 0 : i32
    %c0_i32_0 = arith.constant 0 : i32
    %c0_i32_1 = arith.constant 0 : i32
    return %c0_i32, %c0_i32_0 : i32, i32
  }
  func.func @transform_2(%arg0: i32) -> (i32, i32) {
    %c0_i32 = arith.constant 0 : i32
    %c0_i32_0 = arith.constant 0 : i32
    %c0_i32_1 = arith.constant 0 : i32
    return %c0_i32, %c0_i32_0 : i32, i32
  }
  func.func @transform_3(%arg0: i32) -> (i32, i32) {
    %c0_i32 = arith.constant 0 : i32
    %c0_i32_0 = arith.constant 0 : i32
    %c0_i32_1 = arith.constant 0 : i32
    return %c0_i32, %c0_i32_0 : i32, i32
  }
  func.func @transform_4(%arg0: i32) -> (i32, i32) {
    %c0_i32 = arith.constant 0 : i32
    %c0_i32_0 = arith.constant 0 : i32
    %c0_i32_1 = arith.constant 0 : i32
    return %c0_i32, %c0_i32_0 : i32, i32
  }
  func.func @transform_5(%arg0: i32) -> (i32, i32) {
    %c0_i32 = arith.constant 0 : i32
    %c0_i32_0 = arith.constant 0 : i32
    %c0_i32_1 = arith.constant 0 : i32
    return %c0_i32, %c0_i32_0 : i32, i32
  }
  func.func @transform_6(%arg0: i32) -> (i32, i32) {
    %c0_i32 = arith.constant 0 : i32
    %c0_i32_0 = arith.constant 0 : i32
    %c0_i32_1 = arith.constant 0 : i32
    return %c0_i32, %c0_i32_0 : i32, i32
  }
  func.func @transform_7(%arg0: i32) -> (i32, i32) {
    %c0_i32 = arith.constant 0 : i32
    %c0_i32_0 = arith.constant 0 : i32
    %c0_i32_1 = arith.constant 0 : i32
    return %c0_i32, %c0_i32_0 : i32, i32
  }
  func.func @transform_8(%arg0: i32) -> (i32, i32) {
    %c0_i32 = arith.constant 0 : i32
    %c0_i32_0 = arith.constant 0 : i32
    %c0_i32_1 = arith.constant 0 : i32
    return %c0_i32, %c0_i32_0 : i32, i32
  }
  func.func @transform_9(%arg0: i32) -> (i32, i32) {
    %c0_i32 = arith.constant 0 : i32
    %c0_i32_0 = arith.constant 0 : i32
    %c0_i32_1 = arith.constant 0 : i32
    return %c0_i32, %c0_i32_0 : i32, i32
  }
  func.func @transform_10(%arg0: i32) -> (i32, i32) {
    %c0_i32 = arith.constant 0 : i32
    %c0_i32_0 = arith.constant 0 : i32
    %c0_i32_1 = arith.constant 0 : i32
    return %c0_i32, %c0_i32_0 : i32, i32
  }
  func.func @transform_11(%arg0: i32) -> (i32, i32) {
    %c0_i32 = arith.constant 0 : i32
    %c0_i32_0 = arith.constant 0 : i32
    %c0_i32_1 = arith.constant 0 : i32
    return %c0_i32, %c0_i32_0 : i32, i32
  }
  func.func @transform_12(%arg0: i32) -> (i32, i32) {
    %c0_i32 = arith.constant 0 : i32
    %c0_i32_0 = arith.constant 0 : i32
    %c0_i32_1 = arith.constant 0 : i32
    return %c0_i32, %c0_i32_0 : i32, i32
  }
  func.func @transform_13(%arg0: i32) -> (i32, i32) {
    %c0_i32 = arith.constant 0 : i32
    %c0_i32_0 = arith.constant 0 : i32
    return %arg0, %c0_i32 : i32, i32
  }
}

</mosaic_0001>

<sc_bundles>
// kernel: kernel.4.cloned.1.call-start
scs
__scs_entry_jumppad:
0x0: {  	(pc) =	sbr.rel $0x88, $3  }
0x1: {  	(tag) =	ssettag $0x0;
	lr =	simm.s32 $0x1  }
0x2: {  	[smem:$0x3F95] =	sst lr;
	_ =	strace $0xD0000000  }
0x3: {  	_ = 	snop  }
0x4: {  	_ = 	snop  }
0x5: {  	_ = 	snop  }
0x6: {  	_ = 	snop  }
0x7: {  	_ = 	snop  }
__scs_overlays_trampoline_lowered:
0x8: {  	[smem:$0x3FA4] =	sst s0  }
0x9: {  	[smem:$0x3FA5] =	sst s1  }
0xa: {  	[smem:$0x3FA6] =	sst s2  }
0xb: {  	[smem:$0x3FA7] =	sst s3  }
0xc: {  	[smem:$0x3FA8] =	sst s4  }
0xd: {  	[smem:$0x3FA9] =	sst s5  }
0xe: {  	[smem:$0x3FAA] =	sst s6  }
0xf: {  	[smem:$0x3FAB] =	sst s7  }
0x10: {  	[smem:$0x3FAC] =	sst s8  }
0x11: {  	[smem:$0x3FAD] =	sst s9;
	s0 =	simm.s32 @!p0 $0x0  }
0x12: {  	s1 =	sld [smem:$0x3F93];
	s0 =	simm.s32 @p0 $0x1  }
0x13: {  	[smem:$0x3FAE] =	sst s0;
	s0 =	simm.s32 @!p1 $0x0  }
0x14: {  	s2 =	sld [smem:$0x3F92];
	s0 =	simm.s32 @p1 $0x1  }
0x15: {  	[smem:$0x3FAF] =	sst s0;
	s0 =	simm.s32 @!p2 $0x0  }
0x16: {  	s3 =	sld [smem:$0x3FDB];
	s0 =	simm.s32 @p2 $0x1  }
0x17: {  	s4 =	simm.s32 $0x1BF5;
	[smem:$0x3FB1] =	sst s0  }
0x18: {  	s0 =	sld [smem:$0x3F94];
	_ =	swait.ge [sflag:s4], $0x0  }
0x19: {  	s7 =	sld [smem:$0x3F95]  }
0x1a: {  	s8 =	sadd.s32 $0xFFFFE003, lr  }
0x1b: {  	s9 =	sadd.s32 $0xFFFFFEF7, lr;
	s5 =	simm.s32 $0xFFFFFFFF;
	p2 =	slt.u32 s8, $0xFFFFF086  }
0x1c: {  	p1 =	slt.u32 s9, $0xF7A;
	s5 =	simm.s32 @!p2 $0x0  }
0x1d: {  	s5 =	simm.s32 @p1 $0x1;
	p0 =	seq.s32 s7, s2  }
0x1e: {  	s7 =	smul.u32 @!p0 $0xF7A, s2;
	p2 =	seq.s32 @!p0 s5, $0x0  }
0x1f: {  	s9 =	smul.u32 $0xF7A, s1;
	s8 =	simm.s32 @!p0 $0x1BF5;
	p2 =	por !p2, p0  }
0x20: {  	[sflag:s8] =	ssyncset.s32 @!p0 $0xFFFFF086;
	s6 =	sadd.s32 @!p0 s3, s7;
	s7 =	simm.s32 @!p0 $0x108  }
0x21: {  	s3 =	sadd.s32 s3, s9;
	s6 =	sadd.s32 @!p0 $0x88, s6;
	s7 =	simm.s32 @p2 $0x1082  }
0x22: {  	[simem:s7], [sflag:s8] =	dma.local @!p0 [hbm:s6], $0xF7A  }
0x23: {  	s9 =	sor.u32 $0xD0000000, s2;
	s6 =	simm.s32 $0x108;
	_ =	swait.ge @!p0 [sflag:s8], $0x0  }
0x24: {  	s3 =	sadd.s32 $0x88, s3;
	s6 =	simm.s32 @!p1 $0x1082;
	[sflag:s4] =	ssyncset.s32 $0xFFFFF086  }
0x25: {  	[simem:s6], [sflag:s4] =	dma.local [hbm:s3], $0xF7A  }
0x26: {  	[smem:$0x3F95] =	sst s1;
	(tag) =	ssettag s2;
	_ =	strace s9  }
0x27: {  	s1 =	sld [smem:$0x3FA5]  }
0x28: {  	s2 =	sld [smem:$0x3FA6]  }
0x29: {  	s4 =	sld [smem:$0x3FA8]  }
0x2a: {  	p0 =	seq.s32 s5, $0x0;
	s5 =	sld [smem:$0x3FA9]  }
0x2b: {  	s6 =	sld [smem:$0x3FAA]  }
0x2c: {  	s7 =	sld [smem:$0x3FAB]  }
0x2d: {  	s3 =	simm.s32 $0x108;
	s8 =	sld [smem:$0x3FAC]  }
0x2e: {  	s3 =	simm.s32 @!p0 $0x1082;
	s9 =	sld [smem:$0x3FAD]  }
0x2f: {  	lr =	sadd.s32 s0, s3;
	s0 =	sld [smem:$0x3FA4]  }
0x30: {  	s3 =	sld [smem:$0x3FA7]  }
0x31: {  	[smem:$0x3FB0] =	sst s10  }
0x32: {  	s10 =	sld [smem:$0x3FAE];
	_ =	sdelay $0x3  }
0x33: {  	p0 =	seq.s32 s10, $0x1;
	s10 =	sld [smem:$0x3FB0];
	_ =	sdelay $0x3  }
0x34: {  	[smem:$0x3FB0] =	sst s10  }
0x35: {  	s10 =	sld [smem:$0x3FAF];
	_ =	sdelay $0x3  }
0x36: {  	p1 =	seq.s32 s10, $0x1;
	s10 =	sld [smem:$0x3FB0];
	_ =	sdelay $0x3  }
0x37: {  	[smem:$0x3FB0] =	sst s10  }
0x38: {  	s10 =	sld [smem:$0x3FB1]  }
0x39: {  	_ = 	snop;
	(pc) =	sbr.ind lr, $3  }
0x3a: {  	_ = 	snop  }
0x3b: {  	_ = 	snop  }
0x3c: {  	p2 =	seq.s32 s10, $0x1;
	s10 =	sld [smem:$0x3FB0]  }
0x3d: {  	_ =	shalt  }
0x3e: {  	_ =	shalt  }
0x3f: {  	_ =	shalt  }
0x40: {  	_ =	shalt  }
0x41: {  	_ =	shalt  }
0x42: {  	_ =	shalt  }
0x43: {  	_ =	shalt  }
0x44: {  	_ =	shalt  }
0x45: {  	_ =	shalt  }
0x46: {  	_ =	shalt  }
0x47: {  	_ =	shalt  }
0x48: {  	_ =	shalt  }
0x49: {  	_ =	shalt  }
0x4a: {  	_ =	shalt  }
0x4b: {  	_ =	shalt  }
0x4c: {  	_ =	shalt  }
0x4d: {  	_ =	shalt  }
0x4e: {  	_ =	shalt  }
0x4f: {  	_ =	shalt  }
0x50: {  	_ =	shalt  }
0x51: {  	_ =	shalt  }
0x52: {  	_ =	shalt  }
0x53: {  	_ =	shalt  }
0x54: {  	_ =	shalt  }
0x55: {  	_ =	shalt  }
0x56: {  	_ =	shalt  }
0x57: {  	_ =	shalt  }
0x58: {  	_ =	shalt  }
0x59: {  	_ =	shalt  }
0x5a: {  	_ =	shalt  }
0x5b: {  	_ =	shalt  }
0x5c: {  	_ =	shalt  }
0x5d: {  	_ =	shalt  }
0x5e: {  	_ =	shalt  }
0x5f: {  	_ =	shalt  }
0x60: {  	_ =	shalt  }
0x61: {  	_ =	shalt  }
0x62: {  	_ =	shalt  }
0x63: {  	_ =	shalt  }
0x64: {  	_ =	shalt  }
0x65: {  	_ =	shalt  }
0x66: {  	_ =	shalt  }
0x67: {  	_ =	shalt  }
0x68: {  	_ =	shalt  }
0x69: {  	_ =	shalt  }
0x6a: {  	_ =	shalt  }
0x6b: {  	_ =	shalt  }
0x6c: {  	_ =	shalt  }
0x6d: {  	_ =	shalt  }
0x6e: {  	_ =	shalt  }
0x6f: {  	_ =	shalt  }
0x70: {  	_ =	shalt  }
0x71: {  	_ =	shalt  }
0x72: {  	_ =	shalt  }
0x73: {  	_ =	shalt  }
0x74: {  	_ =	shalt  }
0x75: {  	_ =	shalt  }
0x76: {  	_ =	shalt  }
0x77: {  	_ =	shalt  }
0x78: {  	_ =	shalt  }
0x79: {  	_ =	shalt  }
0x7a: {  	_ =	shalt  }
0x7b: {  	_ =	shalt  }
0x7c: {  	_ =	shalt  }
0x7d: {  	_ =	shalt  }
0x7e: {  	_ =	shalt  }
0x7f: {  	_ =	shalt  }
0x80: {  	_ =	shalt  }
0x81: {  	_ =	shalt  }
0x82: {  	_ =	shalt  }
0x83: {  	_ =	shalt  }
0x84: {  	_ =	shalt  }
0x85: {  	_ =	shalt  }
0x86: {  	_ =	shalt  }
0x87: {  	_ =	shalt  }
.Lfunc_end0:
.L_simem_size_0:
called_computation_lowered:
.L_overlay_start_0:
0x88: {  	s2 =	sld [smem:$0x3FD9]  }
0x89: {  	s3 =	sld [smem:$0x3FFE];
	_ =	sdelay $0x1  }
0x8a: {  	s1 =	srdreg.scid  }
0x8b: {  	s0 =	sand.u32 $0x1, s1  }
0x8c: {  	s17 =	sshll.u32 s0, $0xA;
	s2 =	sadd.s32 s3, s2  }
0x8d: {  	s2 =	sadd.s32 s2, s17  }
0x8e: {  	[smem:$0x3FBC] =	sst s2  }
0x8f: {  	_ = 	snop  }
0x90: {  	s2 =	sld [smem:$0x3FD0];
	(tm) =	ssettm $0x1  }
0x91: {  	s18 =	sld [smem:$0x3FFB];
	_ =	sdelay $0x3  }
0x92: {  	_ =	strace s18  }
0x93: {  	s3 =	sld [smem:$0x3FFC];
	_ =	sdelay $0x3  }
0x94: {  	_ =	strace s3  }
0x95: {  	s3 =	sld [smem:$0x3FFD];
	_ =	sdelay $0x3  }
0x96: {  	_ =	strace s3  }
0x97: {  	_ =	strace $0x8FFFFFFF  }
0x98: {  	s19 =	sld [smem:$0x3FDB];
	_ =	sdelay $0x1  }
0x99: {  	s4 =	simm.s32 $_scs_section_size  }
0x9a: {  	s5 =	simm.s32 $_size__tile_overlayer_lowered;
	s6 =	simm.s32 $_tile_overlayer_lowered  }
0x9b: {  	s22 =	simm.s32 $0x1BFF;
	s21 =	sshll.u32 s6, $0x1;
	s3 =	sadd.s32 s4, s19  }
0x9c: {  	s7 =	simm.s32 $0x0;
	s20 =	sshll.u32 s5, $0x1;
	s5 =	sadd.s32 s21, s3  }
0x9d: {  	[timem:s7], [sflag:s22] =	dma.local [hbm:s5], s20  }
0x9e: {  	_ =	swait.ge [sflag:s22], s20  }
0x9f: {  	s4 =	ssub.s32 $0x0, s20;
	[sflag:s22] =	ssyncset.done $0x0  }
0xa0: {  	[sflag:s22] =	ssyncadd.s32 s4;
	_ =	sdelay $0x1  }
0xa1: {  	s23 =	simm.s32 $0x1B8B  }
0xa2: {  	_ =	swait.ge [sflag:s23], $0x1  }
0xa3: {  	[sflag:s23] =	ssyncset.done $0x0  }
0xa4: {  	s25 =	simm.s32 $0x1B8E;
	s24 =	sld [smem:$0x3FFE];
	[sflag:s23] =	ssyncadd.s32 $0xFFFFFFFF  }
0xa5: {  	s26 =	simm.s32 $execute0_lowered;
	[smem:$0x3FD2] =	sst s25  }
0xa6: {  	s5 =	sshll.u32 s26, $0x1;
	_ =	strace $0x80000046;
	[dreg:$0x1] =	wrdreg $0xFFFFFFFF  }
0xa7: {  	s28 =	simm.s32 $_size_execute0_lowered;
	s3 =	sadd.s32 s3, s5;
	[dreg:$0x0] =	wrdreg $0x0  }
0xa8: {  	s5 =	sshll.u32 s28, $0x1;
	[dreg:$0x2] =	wrdreg s3  }
0xa9: {  	[dreg:$0x3] =	wrdreg s5  }
0xaa: {  	[dreg:$0x4] =	wrdreg $0xC0  }
0xab: {  	_ =	task [dreg:s7], $0x5FFFF  }
0xac: {  	[dreg:$0x1] =	wrdreg $0xFFFFFFFF  }
0xad: {  	[dreg:$0x0] =	wrdreg $0x60  }
0xae: {  	[dreg:$0x2] =	wrdreg s24  }
0xaf: {  	[dreg:$0x3] =	wrdreg s2  }
0xb0: {  	[dreg:$0x4] =	wrdreg $0x9  }
0xb1: {  	_ =	task.clear_ibuf [dreg:s7], $0x5FFFF;
	_ =	strace $0x90000046  }
0xb2: {  	s29 =	simm.s32 $0x9;
	_ =	strace $0x80000048  }
0xb3: {  	_ =	swait.ge [sflag:s29], $0x1  }
0xb4: {  	[sflag:s29] =	ssyncadd.s32 $0xFFFFFFFF  }
0xb5: {  	_ =	strace $0x90000048  }
0xb6: {  	_ =	sfence  }
0xb7: {  	s30 =	sld [smem:$0x0];
	_ =	sdelay $0x2  }
0xb8: {  	s31 =	sshll.u32 s1, $0xD;
	s1 =	sshrl.u32 s1, $0x2  }
0xb9: {  	s3 =	sand.u32 $0x4000, s31;
	s1 =	sadd.s32 s1, s30  }
0xba: {  	s0 =	sor.u32 s3, s0;
	s1 =	sshll.u32 s1, $0x11  }
0xbb: {  	s0 =	sor.u32 s1, s0  }
0xbc: {  	s0 =	sadd.s32 $0x8F2B, s0  }
0xbd: {  	[sflag:s0] =	ssyncadd.remote.s32 $0x1  }
0xbe: {  	_ =	sfence.sel $0xFFFF  }
0xbf: {  	[dreg:$0x0] =	wrdreg $0xFFFFFFFF;
	(pc) =	sbr.abs _section_cstart, $3  }
0xc0: {  	[dreg:$0x1] =	wrdreg $0xFFFFFFFF  }
0xc1: {  	_ =	task.clear_ibuf [dreg:s7], $0x2FFFF;
	_ =	strace $0x9FFFFFFF  }
0xc2: {  	(tm) =	ssettm $0x7FFFFFFF  }
0xc3: {  	_ =	shalt  }
tec
execute0_lowered:
.L_overlay_start_1:
0x0: {  	(tag) =	ssettag $0x1  }
0x1: {  	s3 =	rddreg [dreg:$0x0]  }
0x2: {  	s7 =	rddreg [dreg:$0x1];
	s1 =	srdreg.scid  }
0x3: {  	s0 =	rddreg [dreg:$0x2];
	s4 =	sand.u32 $0x1, s1  }
0x4: {  	s2 =	simm.s32 $0x0;
	s1 =	stileid.u32;
	s5 =	sshll.u32 s4, $0x4  }
0x5: {  	[smem:$0x7FF] =	sst s2;
	s6 =	sor.u32 s1, s5  }
0x6: {  	s3 =	sadd.s32 $0x1C00, s3;
	s8 =	ssub.s32 $0x2, s4;
	s5 =	smul.u32 $0x61, s6  }
0x7: {  	_ =	strace $0x80000047;
	s9 =	sshrl.u32 s8, $0x1;
	s11 =	smul.u32 $0x3200, s6  }
.Ltmp0:
0x8: {  	s30 =	smin.u32 s6, $0x15;
	p0 =	slt.u32 s6, $0x15;
	(pc) =	sbr.rel .LBB2_1-.Ltmp0, $4  }
0x9: {  	s8 =	ssub.s32 s8, s9;
	s9 =	simm.s32 $0x1;
	s4 =	sadd.s32 s30, s5  }
0xa: {  	s8 =	smax.u32 s8, $0x1;
	s5 =	simm.s32 $0xE;
	s10 =	sshll.u32 s4, $0x7  }
0xb: {  	s7 =	sadd.s32 s7, s11;
	s11 =	simm.s32 $0x0;
	s31 =	sadd.s32 s10, s3  }
0xc: {  	v0 =	vimm.f32 $0.0e+00;
	v1 =	vimm.f32 $1.000000000e+00;
	s5 =	simm.s32 @!p0 $0xD;
	s10 =	simm.s32 $0x1C00;
	s6 =	sadd.s32 $0x2D80, s31  }
.LBB2_11:
0xd: {  	s11 =	sadd.s32 $0x1, s11  }
0xe: {  	p1 =	sne.s32 s11, s8  }
.Ltmp1:
0xf: {  	_ = 	snop;
	(pc) =	sbr.rel @!p1 .LBB2_12-.Ltmp1, $4  }
0x10: {  	[hbm4b:s7+s2] =	stream.linear.scatter [tilespmem:s10], [sflag:$0x1], $0x19000, $0x38;
	[tilespmem:$0x1AC00] =	vst v63  }
0x11: {  	_ =	swait.ge [sflag:s9], $0x19000  }
0x12: {  	[sflag:s9] =	ssyncset.done $0x0  }
0x13: {  	[sflag:s9] =	ssyncadd.s32 $0xFFFE7000  }
.LBB2_1:
0x14: {  	s13 =	simm.s32 $0x0;
	s12 =	simm.s32 $0x200  }
.LBB2_2:
0x15: {  	p1 =	sne.s32 s12, $0x63E00;
	[tilespmem:s13+$0x1C70] =	vst v0  }
0x16: {  	[tilespmem:s13+$0x1C00] =	vst v0  }
0x17: {  	[tilespmem:s13+$0x1C10] =	vst v0  }
.Ltmp2:
0x18: {  	[tilespmem:s13+$0x1C20] =	vst v0;
	(pc) =	sbr.rel @p1 .LBB2_2-.Ltmp2, $4  }
0x19: {  	[tilespmem:s13+$0x1C30] =	vst v0  }
0x1a: {  	[tilespmem:s13+$0x1C40] =	vst v0  }
0x1b: {  	[tilespmem:s13+$0x1C50] =	vst v0  }
0x1c: {  	[tilespmem:s13+$0x1C60] =	vst v0;
	s13 =	sshra.s32 s12, $0x2;
	s12 =	sadd.s32 $0x200, s12  }
0x1d: {  	[tilespmem:s13+$0x1C70] =	vst v0  }
0x1e: {  	[tilespmem:s13+$0x1C00] =	vst v0  }
0x1f: {  	[tilespmem:s13+$0x1C10] =	vst v0  }
0x20: {  	[tilespmem:s13+$0x1C20] =	vst v0  }
0x21: {  	[tilespmem:s13+$0x1C30] =	vst v0  }
0x22: {  	[tilespmem:s13+$0x1C40] =	vst v0  }
0x23: {  	[tilespmem:s13+$0x1C50] =	vst v0  }
0x24: {  	s12 =	simm.s32 $0x0;
	[tilespmem:s13+$0x1C60] =	vst v0;
	s13 =	simm.s32 $0x0  }
.LBB2_4:
0x25: {  	s14 =	smul.u32 $0x7, s13;
	_ =	sdelay $0x1  }
0x26: {  	s14 =	sadd.s32 s4, s14  }
0x27: {  	s14 =	sshll.u32 s14, $0x7  }
0x28: {  	s14 =	sand.u32 $0x1FFFFF80, s14  }
0x29: {  	s14 =	sadd.s32 s3, s14  }
0x2a: {  	[tilespmem:s12], [sflag:$0x1] =	stream.linear.gather [hbm4b:s14+s12], $0x1C00, $0x38;
	[tilespmem:$0x1AC00] =	vst v63  }
0x2b: {  	_ =	swait.ge [sflag:s9], $0x1C00  }
0x2c: {  	[sflag:s9] =	ssyncset.done $0x0  }
0x2d: {  	s31 =	simm.s32 $0x0;
	[sflag:s9] =	ssyncadd.s32 $0xFFFFE400  }
0x2e: {  	v2 =	vld [tilespmem:s31+$0xF0]  }
0x2f: {  	v3 =	vld [tilespmem:s31+$0x50]  }
0x30: {  	v4 =	vld [tilespmem:s31+$0xD0]  }
0x31: {  	v5 =	vld [tilespmem:s31+$0xB0]  }
0x32: {  	v6 =	vld [tilespmem:s31+$0x30]  }
0x33: {  	v7 =	vld [tilespmem:s31+$0x40]  }
0x34: {  	v8 =	vld [tilespmem:s31+$0x10]  }
0x35: {  	v9 =	vld [tilespmem:s31+$0x20]  }
0x36: {  	v10 =	vld [tilespmem:s31+$0x0]  }
0x37: {  	v11 =	vld [tilespmem:s31+$0x90]  }
0x38: {  	v12 =	vld [tilespmem:s31+$0x60]  }
0x39: {  	v13 =	vld [tilespmem:s31+$0x70]  }
0x3a: {  	v14 =	vld [tilespmem:s31+$0xC0]  }
0x3b: {  	v15 =	vld [tilespmem:s31+$0x80]  }
0x3c: {  	v16 =	vld [tilespmem:s31+$0xE0]  }
0x3d: {  	v17 =	vld [tilespmem:s31+$0xA0]  }
0x3e: {  	[tilespmem:v10+s10+$0x0] =	vst.idx.add.f32.msk $0xffff, v1  }
0x3f: {  	[tilespmem:v8+s10+$0x0] =	vst.idx.add.f32.msk $0xffff, v1  }
0x40: {  	[tilespmem:v9+s10+$0x0] =	vst.idx.add.f32.msk $0xffff, v1  }
0x41: {  	[tilespmem:v6+s10+$0x0] =	vst.idx.add.f32.msk $0xffff, v1  }
0x42: {  	[tilespmem:v7+s10+$0x0] =	vst.idx.add.f32.msk $0xffff, v1  }
0x43: {  	[tilespmem:v3+s10+$0x0] =	vst.idx.add.f32.msk $0xffff, v1  }
0x44: {  	[tilespmem:v12+s10+$0x0] =	vst.idx.add.f32.msk $0xffff, v1  }
0x45: {  	[tilespmem:v13+s10+$0x0] =	vst.idx.add.f32.msk $0xffff, v1  }
0x46: {  	[tilespmem:v15+s10+$0x0] =	vst.idx.add.f32.msk $0xffff, v1  }
0x47: {  	[tilespmem:v11+s10+$0x0] =	vst.idx.add.f32.msk $0xffff, v1  }
0x48: {  	[tilespmem:v17+s10+$0x0] =	vst.idx.add.f32.msk $0xffff, v1  }
0x49: {  	[tilespmem:v5+s10+$0x0] =	vst.idx.add.f32.msk $0xffff, v1  }
0x4a: {  	[tilespmem:v14+s10+$0x0] =	vst.idx.add.f32.msk $0xffff, v1  }
0x4b: {  	[tilespmem:v4+s10+$0x0] =	vst.idx.add.f32.msk $0xffff, v1  }
0x4c: {  	s14 =	simm.s32 $0x400;
	[tilespmem:v16+s10+$0x0] =	vst.idx.add.f32.msk $0xffff, v1  }
.LBB2_5:
0x4d: {  	s15 =	sshra.s32 s14, $0x2;
	p1 =	sne.s32 s14, $0x6C00;
	s14 =	sadd.s32 $0x400, s14;
	[tilespmem:v2+s10+$0x0] =	vst.idx.add.f32.msk $0xffff, v1  }
0x4e: {  	v2 =	vld [tilespmem:s15+$0xF0]  }
0x4f: {  	v3 =	vld [tilespmem:s15+$0x50]  }
0x50: {  	v4 =	vld [tilespmem:s15+$0xD0]  }
0x51: {  	v5 =	vld [tilespmem:s15+$0xB0]  }
0x52: {  	v6 =	vld [tilespmem:s15+$0x30]  }
0x53: {  	v7 =	vld [tilespmem:s15+$0x40]  }
0x54: {  	v8 =	vld [tilespmem:s15+$0x10]  }
0x55: {  	v9 =	vld [tilespmem:s15+$0x20]  }
0x56: {  	v10 =	vld [tilespmem:s15+$0x0]  }
0x57: {  	v11 =	vld [tilespmem:s15+$0x90]  }
0x58: {  	v12 =	vld [tilespmem:s15+$0x60]  }
0x59: {  	v13 =	vld [tilespmem:s15+$0x70]  }
0x5a: {  	v14 =	vld [tilespmem:s15+$0xC0]  }
0x5b: {  	v15 =	vld [tilespmem:s15+$0x80]  }
0x5c: {  	v16 =	vld [tilespmem:s15+$0xE0]  }
0x5d: {  	v17 =	vld [tilespmem:s15+$0xA0]  }
0x5e: {  	[tilespmem:v10+s10+$0x0] =	vst.idx.add.f32.msk $0xffff, v1  }
0x5f: {  	[tilespmem:v8+s10+$0x0] =	vst.idx.add.f32.msk $0xffff, v1  }
0x60: {  	[tilespmem:v9+s10+$0x0] =	vst.idx.add.f32.msk $0xffff, v1  }
0x61: {  	[tilespmem:v6+s10+$0x0] =	vst.idx.add.f32.msk $0xffff, v1  }
0x62: {  	[tilespmem:v7+s10+$0x0] =	vst.idx.add.f32.msk $0xffff, v1  }
0x63: {  	[tilespmem:v3+s10+$0x0] =	vst.idx.add.f32.msk $0xffff, v1  }
0x64: {  	[tilespmem:v12+s10+$0x0] =	vst.idx.add.f32.msk $0xffff, v1  }
0x65: {  	[tilespmem:v13+s10+$0x0] =	vst.idx.add.f32.msk $0xffff, v1  }
0x66: {  	[tilespmem:v15+s10+$0x0] =	vst.idx.add.f32.msk $0xffff, v1  }
0x67: {  	[tilespmem:v11+s10+$0x0] =	vst.idx.add.f32.msk $0xffff, v1  }
.Ltmp3:
0x68: {  	[tilespmem:v17+s10+$0x0] =	vst.idx.add.f32.msk $0xffff, v1;
	(pc) =	sbr.rel @p1 .LBB2_5-.Ltmp3, $4  }
0x69: {  	[tilespmem:v5+s10+$0x0] =	vst.idx.add.f32.msk $0xffff, v1  }
0x6a: {  	[tilespmem:v14+s10+$0x0] =	vst.idx.add.f32.msk $0xffff, v1  }
0x6b: {  	[tilespmem:v4+s10+$0x0] =	vst.idx.add.f32.msk $0xffff, v1  }
0x6c: {  	[tilespmem:v16+s10+$0x0] =	vst.idx.add.f32.msk $0xffff, v1  }
0x6d: {  	s13 =	sadd.s32 $0x1, s13  }
0x6e: {  	p1 =	sne.s32 s13, s5  }
.Ltmp4:
0x6f: {  	_ = 	snop;
	(pc) =	sbr.rel @p1 .LBB2_4-.Ltmp4, $2  }
0x70: {  	_ =	sdelay $0x2  }
0x71: {  	[tilespmem:v2+s10+$0x0] =	vst.idx.add.f32.msk $0xffff, v1  }
.Ltmp5:
0x72: {  	(pc) =	sbr.rel @p0 .LBB2_11-.Ltmp5, $1  }
0x73: {  	_ =	sdelay $0x3  }
0x74: {  	s12 =	simm.s32 $0x0  }
0x75: {  	[tilespmem:s12], [sflag:$0x1] =	stream.linear.gather [hbm4b:s6+s12], $0x1800, $0x38;
	[tilespmem:$0x1AC00] =	vst v63  }
0x76: {  	_ =	swait.ge [sflag:s9], $0x1800  }
0x77: {  	[sflag:s9] =	ssyncset.done $0x0  }
0x78: {  	s31 =	simm.s32 $0x0;
	[sflag:s9] =	ssyncadd.s32 $0xFFFFE800  }
0x79: {  	v2 =	vld [tilespmem:s31+$0xF0]  }
0x7a: {  	v3 =	vld [tilespmem:s31+$0x50]  }
0x7b: {  	v4 =	vld [tilespmem:s31+$0xD0]  }
0x7c: {  	v5 =	vld [tilespmem:s31+$0xB0]  }
0x7d: {  	v6 =	vld [tilespmem:s31+$0x30]  }
0x7e: {  	v7 =	vld [tilespmem:s31+$0x40]  }
0x7f: {  	v8 =	vld [tilespmem:s31+$0x10]  }
0x80: {  	v9 =	vld [tilespmem:s31+$0x20]  }
0x81: {  	v10 =	vld [tilespmem:s31+$0x0]  }
0x82: {  	v11 =	vld [tilespmem:s31+$0x90]  }
0x83: {  	v12 =	vld [tilespmem:s31+$0x60]  }
0x84: {  	v13 =	vld [tilespmem:s31+$0x70]  }
0x85: {  	v14 =	vld [tilespmem:s31+$0xC0]  }
0x86: {  	v15 =	vld [tilespmem:s31+$0x80]  }
0x87: {  	v16 =	vld [tilespmem:s31+$0xE0]  }
0x88: {  	v17 =	vld [tilespmem:s31+$0xA0]  }
0x89: {  	[tilespmem:v10+s10+$0x0] =	vst.idx.add.f32.msk $0xffff, v1  }
0x8a: {  	[tilespmem:v8+s10+$0x0] =	vst.idx.add.f32.msk $0xffff, v1  }
0x8b: {  	[tilespmem:v9+s10+$0x0] =	vst.idx.add.f32.msk $0xffff, v1  }
0x8c: {  	[tilespmem:v6+s10+$0x0] =	vst.idx.add.f32.msk $0xffff, v1  }
0x8d: {  	[tilespmem:v7+s10+$0x0] =	vst.idx.add.f32.msk $0xffff, v1  }
0x8e: {  	[tilespmem:v3+s10+$0x0] =	vst.idx.add.f32.msk $0xffff, v1  }
0x8f: {  	[tilespmem:v12+s10+$0x0] =	vst.idx.add.f32.msk $0xffff, v1  }
0x90: {  	[tilespmem:v13+s10+$0x0] =	vst.idx.add.f32.msk $0xffff, v1  }
0x91: {  	[tilespmem:v15+s10+$0x0] =	vst.idx.add.f32.msk $0xffff, v1  }
0x92: {  	[tilespmem:v11+s10+$0x0] =	vst.idx.add.f32.msk $0xffff, v1  }
0x93: {  	[tilespmem:v17+s10+$0x0] =	vst.idx.add.f32.msk $0xffff, v1  }
0x94: {  	[tilespmem:v5+s10+$0x0] =	vst.idx.add.f32.msk $0xffff, v1  }
0x95: {  	[tilespmem:v14+s10+$0x0] =	vst.idx.add.f32.msk $0xffff, v1  }
0x96: {  	[tilespmem:v4+s10+$0x0] =	vst.idx.add.f32.msk $0xffff, v1  }
0x97: {  	s12 =	simm.s32 $0x400;
	[tilespmem:v16+s10+$0x0] =	vst.idx.add.f32.msk $0xffff, v1  }
.LBB2_9:
0x98: {  	s13 =	sshra.s32 s12, $0x2;
	p1 =	sne.s32 s12, $0x5C00;
	s12 =	sadd.s32 $0x400, s12;
	[tilespmem:v2+s10+$0x0] =	vst.idx.add.f32.msk $0xffff, v1  }
0x99: {  	v2 =	vld [tilespmem:s13+$0xF0]  }
0x9a: {  	v3 =	vld [tilespmem:s13+$0x50]  }
0x9b: {  	v4 =	vld [tilespmem:s13+$0xD0]  }
0x9c: {  	v5 =	vld [tilespmem:s13+$0xB0]  }
0x9d: {  	v6 =	vld [tilespmem:s13+$0x30]  }
0x9e: {  	v7 =	vld [tilespmem:s13+$0x40]  }
0x9f: {  	v8 =	vld [tilespmem:s13+$0x10]  }
0xa0: {  	v9 =	vld [tilespmem:s13+$0x20]  }
0xa1: {  	v10 =	vld [tilespmem:s13+$0x0]  }
0xa2: {  	v11 =	vld [tilespmem:s13+$0x90]  }
0xa3: {  	v12 =	vld [tilespmem:s13+$0x60]  }
0xa4: {  	v13 =	vld [tilespmem:s13+$0x70]  }
0xa5: {  	v14 =	vld [tilespmem:s13+$0xC0]  }
0xa6: {  	v15 =	vld [tilespmem:s13+$0x80]  }
0xa7: {  	v16 =	vld [tilespmem:s13+$0xE0]  }
0xa8: {  	v17 =	vld [tilespmem:s13+$0xA0]  }
0xa9: {  	[tilespmem:v10+s10+$0x0] =	vst.idx.add.f32.msk $0xffff, v1  }
0xaa: {  	[tilespmem:v8+s10+$0x0] =	vst.idx.add.f32.msk $0xffff, v1  }
0xab: {  	[tilespmem:v9+s10+$0x0] =	vst.idx.add.f32.msk $0xffff, v1  }
0xac: {  	[tilespmem:v6+s10+$0x0] =	vst.idx.add.f32.msk $0xffff, v1  }
0xad: {  	[tilespmem:v7+s10+$0x0] =	vst.idx.add.f32.msk $0xffff, v1  }
0xae: {  	[tilespmem:v3+s10+$0x0] =	vst.idx.add.f32.msk $0xffff, v1  }
0xaf: {  	[tilespmem:v12+s10+$0x0] =	vst.idx.add.f32.msk $0xffff, v1  }
0xb0: {  	[tilespmem:v13+s10+$0x0] =	vst.idx.add.f32.msk $0xffff, v1  }
0xb1: {  	[tilespmem:v15+s10+$0x0] =	vst.idx.add.f32.msk $0xffff, v1  }
0xb2: {  	[tilespmem:v11+s10+$0x0] =	vst.idx.add.f32.msk $0xffff, v1  }
.Ltmp6:
0xb3: {  	[tilespmem:v17+s10+$0x0] =	vst.idx.add.f32.msk $0xffff, v1;
	(pc) =	sbr.rel @p1 .LBB2_9-.Ltmp6, $4  }
0xb4: {  	[tilespmem:v5+s10+$0x0] =	vst.idx.add.f32.msk $0xffff, v1  }
0xb5: {  	[tilespmem:v14+s10+$0x0] =	vst.idx.add.f32.msk $0xffff, v1  }
0xb6: {  	[tilespmem:v4+s10+$0x0] =	vst.idx.add.f32.msk $0xffff, v1  }
0xb7: {  	[tilespmem:v16+s10+$0x0] =	vst.idx.add.f32.msk $0xffff, v1  }
.Ltmp7:
0xb8: {  	_ = 	snop;
	(pc) =	sbr.rel .LBB2_11-.Ltmp7, $2  }
0xb9: {  	_ =	sdelay $0x2  }
0xba: {  	[tilespmem:v2+s10+$0x0] =	vst.idx.add.f32.msk $0xffff, v1  }
.LBB2_12:
0xbb: {  	_ =	sfence.sel $0x180000  }
0xbc: {  	[bflag:$0x0] =	sbarrier.arrive $0xFFFF  }
0xbd: {  	p0 =	sne.s32 s1, $0x0;
	_ =	strace $0x90000047  }
0xbe: {  	s0 =	sadd.s32 @!p0 $0x100000, s0;
	[bflag:$0x2] =	sbarrier.arrive $0xFFFF  }
0xbf: {  	[sflag:s0] =	ssyncadd.tile.s32 @!p0 $0x1;
	_ =	shalt  }
.Lfunc_end2:
_tile_overlayer_lowered:
.L_overlay_start_2:
0xc0: {  	(tag) =	ssettag $0x2  }
0xc1: {  	s0 =	rddreg [dreg:$0x0];
	s2 =	stileid.u32  }
0xc2: {  	s1 =	rddreg [dreg:$0x1];
	p0 =	sne.s32 s2, $0x0  }
0xc3: {  	s3 =	rddreg [dreg:$0x2];
	[bflag:$0x3] =	sbarrier.arrive $0xFFFF;
	s2 =	simm.s32 @!p0 $0x1C01  }
0xc4: {  	[timem:s3], [sflag:s2] =	dma.local @!p0 [hbm:s0], s1  }
0xc5: {  	s0 =	simm.s32 @!p0 $0x1  }
0xc6: {  	_ =	swait.ge @!p0 [sflag:s0], s1  }
0xc7: {  	s1 =	ssub.s32 @!p0 $0x0, s1;
	[sflag:s0] =	ssyncset.done @!p0 $0x0  }
0xc8: {  	[sflag:s0] =	ssyncadd.s32 @!p0 s1  }
0xc9: {  	[bflag:$0x3] =	sbarrier.arrive $0xFFFF  }
0xca: {  	_ =	shalt  }

</sc_bundles>
